<compile_context>
chip_gen: v7x
topology: tpu7x:2x2x1
jax: 0.10.2.dev20260603
libtpu: 0.0.44.dev20260713+nightly
codegen_flags: <defaults>
</compile_context>

<pallas_src>
import functools

import jax
import jax.numpy as jnp
import numpy as np
from jax import lax
from jax.experimental import pallas as pl
from jax.experimental.pallas import tpu as pltpu
from jax.experimental.pallas import tpu_sc as plsc

N_NODES = 10000
N_EDGES = 320000
D = 128
DH = D // 2

NC = 2
NS = 16
L = 16

CH = 96
NCH = 210
E_PAD = NS * NCH * CH
N_PAD = 10240
ROWS_PER_SUB = N_PAD // NS

_PERM = np.concatenate([
    np.arange(0, 32, 2), np.arange(1, 32, 2),
    np.arange(32, 64, 2), np.arange(33, 64, 2),
])

_mesh = plsc.VectorSubcoreMesh(core_axis_name="c", subcore_axis_name="s")


@functools.partial(
    pl.kernel,
    out_type=jax.ShapeDtypeStruct((NC, N_PAD, DH), jnp.float32),
    mesh=_mesh,
    compiler_params=pltpu.CompilerParams(use_tc_tiling_on_sc=False, needs_layout_passes=False),
    scratch_types=[
        pltpu.VMEM((NCH, CH), jnp.int32),
        pltpu.VMEM((NCH, CH), jnp.int32),
        pltpu.VMEM((NCH + 1, CH), jnp.float32),
        pltpu.VMEM((CH, DH), jnp.bfloat16),
        pltpu.VMEM((CH, DH), jnp.bfloat16),
        pltpu.VMEM((CH, DH), jnp.bfloat16),
        pltpu.VMEM((CH, DH), jnp.float32),
        pltpu.VMEM((CH, DH), jnp.float32),
        pltpu.VMEM((CH, DH), jnp.float32),
        pltpu.VMEM_SHARED((N_PAD, DH), jnp.float32),
        pltpu.SemaphoreType.DMA,
        pltpu.SemaphoreType.DMA,
        pltpu.SemaphoreType.DMA,
        pltpu.SemaphoreType.DMA,
        pltpu.SemaphoreType.DMA,
        pltpu.SemaphoreType.DMA,
    ],
)
def _sc_aggregate(x2_hbm, ei_hbm, w_hbm, zeros_hbm, out_hbm,
                  col_s, row_s, w_s, bf0, bf1, bf2, sc0, sc1, sc2, acc_sh,
                  g0, g1, g2, s0, s1, s2):
    c = lax.axis_index("c")
    s = lax.axis_index("s")
    bfs = (bf0, bf1, bf2)
    scs = (sc0, sc1, sc2)
    gsem = (g0, g1, g2)
    ssem = (s0, s1, s2)
    x_half = x2_hbm.at[c]

    pltpu.sync_copy(
        zeros_hbm,
        acc_sh.at[pl.ds(s * ROWS_PER_SUB, ROWS_PER_SUB)],
    )
    pltpu.sync_copy(ei_hbm.at[1, s], col_s)
    pltpu.sync_copy(ei_hbm.at[0, s], row_s)
    pltpu.sync_copy(w_hbm.at[s], w_s.at[pl.ds(0, NCH)])
    plsc.subcore_barrier()

    def issue_gather(k, b):
        pltpu.async_copy(x_half.at[col_s.at[k]], bfs[b], gsem[b])

    def issue_scatter(k, b):
        pltpu.async_copy(scs[b], acc_sh.at[row_s.at[k]], ssem[b], add=True)

    def wait_gather(b):
        pltpu.make_async_copy(x_half.at[col_s.at[0]], bfs[b], gsem[b]).wait()

    def wait_scatter(b):
        pltpu.make_async_copy(scs[b], acc_sh.at[row_s.at[0]], ssem[b]).wait()

    def scale(k, b):
        bv = bfs[b]
        sv = scs[b]

        @plsc.parallel_loop(0, CH, step=1, unroll=4)
        def _scale_edge(e):
            wj = w_s[k, pl.ds(e, L)][0]
            for h in range(DH // 32):
                packed = bv[e, pl.ds(h * 32, 32)]
                lo, hi = plsc.unpack(packed, format=plsc.PackFormat.INTERLEAVED,
                                     preferred_element_type=jnp.float32)
                sv[e, pl.ds(h * 32, L)] = lo * wj
                sv[e, pl.ds(h * 32 + L, L)] = hi * wj

    issue_gather(0, 0)
    issue_gather(1, 1)

    def chunk_body(t, carry):
        for b in range(3):
            k = t * 3 + b
            wait_gather(b)
            if b == 0:
                issue_gather(k + 2, 2)
            else:
                @pl.when(t < NCH // 3 - 1)
                def _():
                    issue_gather(k + 2, (b + 2) % 3)
            scale(k, b)
            if b == 0:
                @pl.when(t >= 1)
                def _():
                    wait_scatter(2)
            else:
                wait_scatter(b - 1)
            issue_scatter(k, b)
        return carry

    lax.fori_loop(0, NCH // 3, chunk_body, 0)

    wait_scatter((NCH - 1) % 3)

    plsc.subcore_barrier()
    pltpu.sync_copy(
        acc_sh.at[pl.ds(s * ROWS_PER_SUB, ROWS_PER_SUB)],
        out_hbm.at[c, pl.ds(s * ROWS_PER_SUB, ROWS_PER_SUB)],
    )


ROWS_BLK = 1000


def _tc_finish(p_ref, w_ref, b_ref, o_ref):
    y = jnp.dot(p_ref[0], w_ref[0], preferred_element_type=jnp.float32)
    y = y + jnp.dot(p_ref[1], w_ref[1], preferred_element_type=jnp.float32)
    o_ref[...] = jnp.maximum(y + b_ref[...], 0.0)


def kernel(x, edge_index, edge_weight, kernel, bias):
    x2 = jnp.stack([x[:, :DH], x[:, DH:]]).astype(jnp.bfloat16)
    pad = E_PAD - N_EDGES
    ei_p = jnp.pad(edge_index.astype(jnp.int32),
                   ((0, 0), (0, pad))).reshape(2, NS, NCH, CH)
    w_p = jnp.pad(edge_weight.astype(jnp.float32), (0, pad)).reshape(
        NS, NCH, CH)
    zeros = jnp.zeros((ROWS_PER_SUB, DH), jnp.float32)
    partials = _sc_aggregate(x2, ei_p, w_p, zeros)
    w2 = jnp.stack([kernel[:DH][_PERM], kernel[DH:][_PERM]])
    out = pl.pallas_call(
        _tc_finish,
        grid=(N_NODES // ROWS_BLK,),
        in_specs=[
            pl.BlockSpec((NC, ROWS_BLK, DH), lambda i: (0, i, 0)),
            pl.BlockSpec((NC, DH, D), lambda i: (0, 0, 0)),
            pl.BlockSpec((1, D), lambda i: (0, 0)),
        ],
        out_specs=pl.BlockSpec((ROWS_BLK, D), lambda i: (i, 0)),
        out_shape=jax.ShapeDtypeStruct((N_NODES, D), jnp.float32),
    )(partials, w2, bias.reshape(1, D))
    return out

# --- scband reference (transcript-rebuilt; emitter-appended) ---
"""Pipeline reference for scband-graph-convolution-49924699848820 (READ-ONLY COPY).

The authoritative reference and input builder live on the scoring server;
editing this copy changes nothing except your own understanding.
"""

import jax, jax.numpy as jnp
import numpy as np

N_NODES = 10000
N_EDGES = 320000
D_IN = 128
D_OUT = 128


def setup_inputs(seed: int = 0) -> dict:
    key = jax.random.key(seed)
    k1, k2, k3, k4 = jax.random.split(key, 4)
    x = jax.random.normal(k1, (N_NODES, D_IN), dtype=jnp.float32)
    edge_index = jax.random.randint(k2, (2, N_EDGES), 0, N_NODES, dtype=jnp.int64)
    edge_weight = jax.random.uniform(k3, (N_EDGES,), dtype=jnp.float32)
    # glorot_uniform kernel
    limit = np.sqrt(6.0 / (D_IN + D_OUT))
    kernel = jax.random.uniform(k4, (D_IN, D_OUT), dtype=jnp.float32, minval=-limit, maxval=limit)
    bias = jnp.zeros((D_OUT,), dtype=jnp.float32)
    return {"x": x, "edge_index": edge_index, "edge_weight": edge_weight, "kernel": kernel, "bias": bias}


def reference(x, edge_index, edge_weight, kernel, bias):
    # pre_sup = x @ W   (dense transform; dropout_rate=0.0, not training)
    pre_sup = jnp.dot(x, kernel)
    # output = sparse(support) @ pre_sup, support given in COO form
    # support[row, col] = edge_weight -> out[row] += w * pre_sup[col]
    row = edge_index[0]
    col = edge_index[1]
    messages = pre_sup[col] * edge_weight[:, None]
    output = jax.ops.segment_sum(messages, row, num_segments=x.shape[0])
    output = output + bias
    return jax.nn.relu(output)

if __name__ == "__main__":
    import jax
    _d = setup_inputs()
    print(jax.jit(kernel)(*tuple(_d.values())))

</pallas_src>

<mosaic_0001>
#map = affine_map<(d0, d1) -> (0, 0, 0)>
#map1 = affine_map<(d0, d1) -> (0, 0, 0, 0)>
#map2 = affine_map<(d0, d1) -> (0, 0)>
module attributes {stable_mosaic.version = 14 : i64} {
  func.func @_sc_aggregate(%arg0: i32, %arg1: i32, %arg2: memref<2x10000x64xbf16, #tpu.memory_space<hbm>>, %arg3: memref<2x16x210x96xi32, #tpu.memory_space<hbm>>, %arg4: memref<16x210x96xf32, #tpu.memory_space<hbm>>, %arg5: memref<640x64xf32, #tpu.memory_space<hbm>>, %arg6: memref<2x10240x64xf32, #tpu.memory_space<hbm>>, %arg7: memref<210x96xi32, #tpu.memory_space<vmem>>, %arg8: memref<210x96xi32, #tpu.memory_space<vmem>>, %arg9: memref<211x96xf32, #tpu.memory_space<vmem>>, %arg10: memref<96x64xbf16, #tpu.memory_space<vmem>>, %arg11: memref<96x64xbf16, #tpu.memory_space<vmem>>, %arg12: memref<96x64xbf16, #tpu.memory_space<vmem>>, %arg13: memref<96x64xf32, #tpu.memory_space<vmem>>, %arg14: memref<96x64xf32, #tpu.memory_space<vmem>>, %arg15: memref<96x64xf32, #tpu.memory_space<vmem>>, %arg16: memref<10240x64xf32, #tpu.memory_space<vmem_shared>>, %arg17: memref<!tpu.dma_semaphore, #tpu.memory_space<semaphore_mem>>, %arg18: memref<!tpu.dma_semaphore, #tpu.memory_space<semaphore_mem>>, %arg19: memref<!tpu.dma_semaphore, #tpu.memory_space<semaphore_mem>>, %arg20: memref<!tpu.dma_semaphore, #tpu.memory_space<semaphore_mem>>, %arg21: memref<!tpu.dma_semaphore, #tpu.memory_space<semaphore_mem>>, %arg22: memref<!tpu.dma_semaphore, #tpu.memory_space<semaphore_mem>>) attributes {dimension_semantics = [#tpu.dimension_semantics<core_parallel>, #tpu.dimension_semantics<subcore_parallel>], iteration_bounds = array<i64: 2, 16>, scalar_prefetch = 0 : i64, scratch_operands = 16 : i64, tpu.core_type = #tpu.core_type<sc_vector_subcore>, window_params = [{transform_indices = #map}, {transform_indices = #map1}, {transform_indices = #map}, {transform_indices = #map2}, {transform_indices = #map}]} {
    %mul3A = arith.constant 640 : i32
    %mul3A_0 = arith.muli %arg1, %mul3A : i32
    "tpu.region"() ({
      %run_scoped3A_39 = tpu.sem_alloc : memref<!tpu.dma_semaphore, #tpu.memory_space<semaphore_mem>>
      %dma_start3A_40 = arith.constant 0 : i32
      %dma_start3A_41 = tpu.memref_slice %arg16[%mul3A_0, %dma_start3A_40] : memref<10240x64xf32, #tpu.memory_space<vmem_shared>> -> memref<640x64xf32, #tpu.memory_space<vmem_shared>>
      tpu.enqueue_dma source(%arg5 : memref<640x64xf32, #tpu.memory_space<hbm>>) target(%dma_start3A_41 : memref<640x64xf32, #tpu.memory_space<vmem_shared>>) target_semaphore(%run_scoped3A_39 : memref<!tpu.dma_semaphore, #tpu.memory_space<semaphore_mem>>)
      %dma_wait3A_42 = arith.constant 0 : i32
      %dma_wait3A_43 = tpu.memref_slice %arg16[%mul3A_0, %dma_wait3A_42] : memref<10240x64xf32, #tpu.memory_space<vmem_shared>> -> memref<640x64xf32, #tpu.memory_space<vmem_shared>>
      tpu.wait_dma2 semaphore(%run_scoped3A_39 : memref<!tpu.dma_semaphore, #tpu.memory_space<semaphore_mem>>) src(%arg5 : memref<640x64xf32, #tpu.memory_space<hbm>>) dst(%dma_wait3A_43 : memref<640x64xf32, #tpu.memory_space<vmem_shared>>)
      tpu.yield
    }) : () -> ()
    %run_scoped3A = arith.constant 1 : i32
    "tpu.region"() ({
      %run_scoped3A_39 = tpu.sem_alloc : memref<!tpu.dma_semaphore, #tpu.memory_space<semaphore_mem>>
      %dma_start3A_40 = arith.constant 0 : i32
      %dma_start3A_41 = arith.constant 0 : i32
      %dma_start3A_42 = tpu.memref_slice %arg3[%run_scoped3A, %arg1, %dma_start3A_40, %dma_start3A_41] : memref<2x16x210x96xi32, #tpu.memory_space<hbm>> -> memref<1x1x210x96xi32, #tpu.memory_space<hbm>>
      %dma_start3A_43 = tpu.memref_squeeze %dma_start3A_42 : memref<1x1x210x96xi32, #tpu.memory_space<hbm>> -> memref<210x96xi32, #tpu.memory_space<hbm>>
      %dma_start3A_44 = arith.constant 0 : i32
      %dma_start3A_45 = arith.constant 0 : i32
      %dma_start3A_46 = tpu.memref_slice %arg3[%run_scoped3A, %arg1, %dma_start3A_44, %dma_start3A_45] : memref<2x16x210x96xi32, #tpu.memory_space<hbm>> -> memref<1x1x210x96xi32, #tpu.memory_space<hbm>>
      %dma_start3A_47 = tpu.memref_squeeze %dma_start3A_46 : memref<1x1x210x96xi32, #tpu.memory_space<hbm>> -> memref<210x96xi32, #tpu.memory_space<hbm>>
      tpu.enqueue_dma source(%dma_start3A_47 : memref<210x96xi32, #tpu.memory_space<hbm>>) target(%arg7 : memref<210x96xi32, #tpu.memory_space<vmem>>) target_semaphore(%run_scoped3A_39 : memref<!tpu.dma_semaphore, #tpu.memory_space<semaphore_mem>>)
      %dma_wait3A_48 = arith.constant 0 : i32
      %dma_wait3A_49 = arith.constant 0 : i32
      %dma_wait3A_50 = tpu.memref_slice %arg3[%run_scoped3A, %arg1, %dma_wait3A_48, %dma_wait3A_49] : memref<2x16x210x96xi32, #tpu.memory_space<hbm>> -> memref<1x1x210x96xi32, #tpu.memory_space<hbm>>
      %dma_wait3A_51 = tpu.memref_squeeze %dma_wait3A_50 : memref<1x1x210x96xi32, #tpu.memory_space<hbm>> -> memref<210x96xi32, #tpu.memory_space<hbm>>
      %dma_wait3A_52 = arith.constant 0 : i32
      %dma_wait3A_53 = arith.constant 0 : i32
      %dma_wait3A_54 = tpu.memref_slice %arg3[%run_scoped3A, %arg1, %dma_wait3A_52, %dma_wait3A_53] : memref<2x16x210x96xi32, #tpu.memory_space<hbm>> -> memref<1x1x210x96xi32, #tpu.memory_space<hbm>>
      %dma_wait3A_55 = tpu.memref_squeeze %dma_wait3A_54 : memref<1x1x210x96xi32, #tpu.memory_space<hbm>> -> memref<210x96xi32, #tpu.memory_space<hbm>>
      tpu.wait_dma2 semaphore(%run_scoped3A_39 : memref<!tpu.dma_semaphore, #tpu.memory_space<semaphore_mem>>) src(%dma_wait3A_55 : memref<210x96xi32, #tpu.memory_space<hbm>>) dst(%arg7 : memref<210x96xi32, #tpu.memory_space<vmem>>)
      tpu.yield
    }) : () -> ()
    %run_scoped3A_1 = arith.constant 0 : i32
    "tpu.region"() ({
      %run_scoped3A_39 = tpu.sem_alloc : memref<!tpu.dma_semaphore, #tpu.memory_space<semaphore_mem>>
      %dma_start3A_40 = arith.constant 0 : i32
      %dma_start3A_41 = arith.constant 0 : i32
      %dma_start3A_42 = tpu.memref_slice %arg3[%run_scoped3A_1, %arg1, %dma_start3A_40, %dma_start3A_41] : memref<2x16x210x96xi32, #tpu.memory_space<hbm>> -> memref<1x1x210x96xi32, #tpu.memory_space<hbm>>
      %dma_start3A_43 = tpu.memref_squeeze %dma_start3A_42 : memref<1x1x210x96xi32, #tpu.memory_space<hbm>> -> memref<210x96xi32, #tpu.memory_space<hbm>>
      %dma_start3A_44 = arith.constant 0 : i32
      %dma_start3A_45 = arith.constant 0 : i32
      %dma_start3A_46 = tpu.memref_slice %arg3[%run_scoped3A_1, %arg1, %dma_start3A_44, %dma_start3A_45] : memref<2x16x210x96xi32, #tpu.memory_space<hbm>> -> memref<1x1x210x96xi32, #tpu.memory_space<hbm>>
      %dma_start3A_47 = tpu.memref_squeeze %dma_start3A_46 : memref<1x1x210x96xi32, #tpu.memory_space<hbm>> -> memref<210x96xi32, #tpu.memory_space<hbm>>
      tpu.enqueue_dma source(%dma_start3A_47 : memref<210x96xi32, #tpu.memory_space<hbm>>) target(%arg8 : memref<210x96xi32, #tpu.memory_space<vmem>>) target_semaphore(%run_scoped3A_39 : memref<!tpu.dma_semaphore, #tpu.memory_space<semaphore_mem>>)
      %dma_wait3A_48 = arith.constant 0 : i32
      %dma_wait3A_49 = arith.constant 0 : i32
      %dma_wait3A_50 = tpu.memref_slice %arg3[%run_scoped3A_1, %arg1, %dma_wait3A_48, %dma_wait3A_49] : memref<2x16x210x96xi32, #tpu.memory_space<hbm>> -> memref<1x1x210x96xi32, #tpu.memory_space<hbm>>
      %dma_wait3A_51 = tpu.memref_squeeze %dma_wait3A_50 : memref<1x1x210x96xi32, #tpu.memory_space<hbm>> -> memref<210x96xi32, #tpu.memory_space<hbm>>
      %dma_wait3A_52 = arith.constant 0 : i32
      %dma_wait3A_53 = arith.constant 0 : i32
      %dma_wait3A_54 = tpu.memref_slice %arg3[%run_scoped3A_1, %arg1, %dma_wait3A_52, %dma_wait3A_53] : memref<2x16x210x96xi32, #tpu.memory_space<hbm>> -> memref<1x1x210x96xi32, #tpu.memory_space<hbm>>
      %dma_wait3A_55 = tpu.memref_squeeze %dma_wait3A_54 : memref<1x1x210x96xi32, #tpu.memory_space<hbm>> -> memref<210x96xi32, #tpu.memory_space<hbm>>
      tpu.wait_dma2 semaphore(%run_scoped3A_39 : memref<!tpu.dma_semaphore, #tpu.memory_space<semaphore_mem>>) src(%dma_wait3A_55 : memref<210x96xi32, #tpu.memory_space<hbm>>) dst(%arg8 : memref<210x96xi32, #tpu.memory_space<vmem>>)
      tpu.yield
    }) : () -> ()
    "tpu.region"() ({
      %run_scoped3A_39 = tpu.sem_alloc : memref<!tpu.dma_semaphore, #tpu.memory_space<semaphore_mem>>
      %dma_start3A_40 = arith.constant 0 : i32
      %dma_start3A_41 = arith.constant 0 : i32
      %dma_start3A_42 = tpu.memref_slice %arg9[%dma_start3A_40, %dma_start3A_41] : memref<211x96xf32, #tpu.memory_space<vmem>> -> memref<210x96xf32, #tpu.memory_space<vmem>>
      %dma_start3A_43 = arith.constant 0 : i32
      %dma_start3A_44 = arith.constant 0 : i32
      %dma_start3A_45 = tpu.memref_slice %arg4[%arg1, %dma_start3A_43, %dma_start3A_44] : memref<16x210x96xf32, #tpu.memory_space<hbm>> -> memref<1x210x96xf32, #tpu.memory_space<hbm>>
      %dma_start3A_46 = tpu.memref_squeeze %dma_start3A_45 : memref<1x210x96xf32, #tpu.memory_space<hbm>> -> memref<210x96xf32, #tpu.memory_space<hbm>>
      %dma_start3A_47 = arith.constant 0 : i32
      %dma_start3A_48 = arith.constant 0 : i32
      %dma_start3A_49 = tpu.memref_slice %arg9[%dma_start3A_47, %dma_start3A_48] : memref<211x96xf32, #tpu.memory_space<vmem>> -> memref<210x96xf32, #tpu.memory_space<vmem>>
      %dma_start3A_50 = arith.constant 0 : i32
      %dma_start3A_51 = arith.constant 0 : i32
      %dma_start3A_52 = tpu.memref_slice %arg4[%arg1, %dma_start3A_50, %dma_start3A_51] : memref<16x210x96xf32, #tpu.memory_space<hbm>> -> memref<1x210x96xf32, #tpu.memory_space<hbm>>
      %dma_start3A_53 = tpu.memref_squeeze %dma_start3A_52 : memref<1x210x96xf32, #tpu.memory_space<hbm>> -> memref<210x96xf32, #tpu.memory_space<hbm>>
      tpu.enqueue_dma source(%dma_start3A_53 : memref<210x96xf32, #tpu.memory_space<hbm>>) target(%dma_start3A_49 : memref<210x96xf32, #tpu.memory_space<vmem>>) target_semaphore(%run_scoped3A_39 : memref<!tpu.dma_semaphore, #tpu.memory_space<semaphore_mem>>)
      %dma_wait3A_54 = arith.constant 0 : i32
      %dma_wait3A_55 = arith.constant 0 : i32
      %dma_wait3A_56 = tpu.memref_slice %arg9[%dma_wait3A_54, %dma_wait3A_55] : memref<211x96xf32, #tpu.memory_space<vmem>> -> memref<210x96xf32, #tpu.memory_space<vmem>>
      %dma_wait3A_57 = arith.constant 0 : i32
      %dma_wait3A_58 = arith.constant 0 : i32
      %dma_wait3A_59 = tpu.memref_slice %arg4[%arg1, %dma_wait3A_57, %dma_wait3A_58] : memref<16x210x96xf32, #tpu.memory_space<hbm>> -> memref<1x210x96xf32, #tpu.memory_space<hbm>>
      %dma_wait3A_60 = tpu.memref_squeeze %dma_wait3A_59 : memref<1x210x96xf32, #tpu.memory_space<hbm>> -> memref<210x96xf32, #tpu.memory_space<hbm>>
      %dma_wait3A_61 = arith.constant 0 : i32
      %dma_wait3A_62 = arith.constant 0 : i32
      %dma_wait3A_63 = tpu.memref_slice %arg9[%dma_wait3A_61, %dma_wait3A_62] : memref<211x96xf32, #tpu.memory_space<vmem>> -> memref<210x96xf32, #tpu.memory_space<vmem>>
      %dma_wait3A_64 = arith.constant 0 : i32
      %dma_wait3A_65 = arith.constant 0 : i32
      %dma_wait3A_66 = tpu.memref_slice %arg4[%arg1, %dma_wait3A_64, %dma_wait3A_65] : memref<16x210x96xf32, #tpu.memory_space<hbm>> -> memref<1x210x96xf32, #tpu.memory_space<hbm>>
      %dma_wait3A_67 = tpu.memref_squeeze %dma_wait3A_66 : memref<1x210x96xf32, #tpu.memory_space<hbm>> -> memref<210x96xf32, #tpu.memory_space<hbm>>
      tpu.wait_dma2 semaphore(%run_scoped3A_39 : memref<!tpu.dma_semaphore, #tpu.memory_space<semaphore_mem>>) src(%dma_wait3A_67 : memref<210x96xf32, #tpu.memory_space<hbm>>) dst(%dma_wait3A_63 : memref<210x96xf32, #tpu.memory_space<vmem>>)
      tpu.yield
    }) : () -> ()
    %barrier3A = arith.constant 0 : index
    tpu.barrier barrier_id(%barrier3A)
    %dma_start3A = arith.constant 0 : i32
    %dma_start3A_2 = arith.constant 0 : i32
    %dma_start3A_3 = tpu.memref_slice %arg7[%dma_start3A, %dma_start3A_2] : memref<210x96xi32, #tpu.memory_space<vmem>> -> memref<1x96xi32, #tpu.memory_space<vmem>>
    %dma_start3A_4 = tpu.memref_squeeze %dma_start3A_3 : memref<1x96xi32, #tpu.memory_space<vmem>> -> memref<96xi32, #tpu.memory_space<vmem>>
    %dma_start3A_5 = arith.constant 0 : i32
    %dma_start3A_6 = arith.constant 0 : i32
    %dma_start3A_7 = tpu.memref_slice %arg2[%arg0, %dma_start3A_5, %dma_start3A_6] : memref<2x10000x64xbf16, #tpu.memory_space<hbm>> -> memref<1x10000x64xbf16, #tpu.memory_space<hbm>>
    %dma_start3A_8 = tpu.memref_squeeze %dma_start3A_7 : memref<1x10000x64xbf16, #tpu.memory_space<hbm>> -> memref<10000x64xbf16, #tpu.memory_space<hbm>>
    %dma_start3A_9 = arith.constant 0 : i32
    %dma_start3A_10 = arith.constant 0 : i32
    %dma_start3A_11 = tpu.memref_slice %dma_start3A_8[%dma_start3A_9, %dma_start3A_10] : memref<10000x64xbf16, #tpu.memory_space<hbm>> -> memref<10000x64xbf16, #tpu.memory_space<hbm>>
    tpu.enqueue_indirect_dma source(%dma_start3A_11 : memref<10000x64xbf16, #tpu.memory_space<hbm>>) target(%arg10 : memref<96x64xbf16, #tpu.memory_space<vmem>>) offsets(%dma_start3A_4 : memref<96xi32, #tpu.memory_space<vmem>>) semaphore(%arg17 : memref<!tpu.dma_semaphore, #tpu.memory_space<semaphore_mem>>)
    %dma_start3A_12 = arith.constant 1 : i32
    %dma_start3A_13 = arith.constant 0 : i32
    %dma_start3A_14 = tpu.memref_slice %arg7[%dma_start3A_12, %dma_start3A_13] : memref<210x96xi32, #tpu.memory_space<vmem>> -> memref<1x96xi32, #tpu.memory_space<vmem>>
    %dma_start3A_15 = tpu.memref_squeeze %dma_start3A_14 : memref<1x96xi32, #tpu.memory_space<vmem>> -> memref<96xi32, #tpu.memory_space<vmem>>
    %dma_start3A_16 = arith.constant 0 : i32
    %dma_start3A_17 = arith.constant 0 : i32
    %dma_start3A_18 = tpu.memref_slice %arg2[%arg0, %dma_start3A_16, %dma_start3A_17] : memref<2x10000x64xbf16, #tpu.memory_space<hbm>> -> memref<1x10000x64xbf16, #tpu.memory_space<hbm>>
    %dma_start3A_19 = tpu.memref_squeeze %dma_start3A_18 : memref<1x10000x64xbf16, #tpu.memory_space<hbm>> -> memref<10000x64xbf16, #tpu.memory_space<hbm>>
    %dma_start3A_20 = arith.constant 0 : i32
    %dma_start3A_21 = arith.constant 0 : i32
    %dma_start3A_22 = tpu.memref_slice %dma_start3A_19[%dma_start3A_20, %dma_start3A_21] : memref<10000x64xbf16, #tpu.memory_space<hbm>> -> memref<10000x64xbf16, #tpu.memory_space<hbm>>
    tpu.enqueue_indirect_dma source(%dma_start3A_22 : memref<10000x64xbf16, #tpu.memory_space<hbm>>) target(%arg11 : memref<96x64xbf16, #tpu.memory_space<vmem>>) offsets(%dma_start3A_15 : memref<96xi32, #tpu.memory_space<vmem>>) semaphore(%arg18 : memref<!tpu.dma_semaphore, #tpu.memory_space<semaphore_mem>>)
    %scan3A = arith.constant 0 : i32
    %scan3A_23 = arith.constant 0 : i32
    %scan3A_24 = arith.constant 70 : i32
    %scan3A_25 = arith.addi %scan3A_23, %scan3A_24 : i32
    %scan3A_26 = arith.constant 1 : i32
    scf.for %scan3A_39 = %scan3A_23 to %scan3A_25 step %scan3A_26  : i32 {
      %mul3A_40 = arith.constant 3 : i32
      %mul3A_41 = arith.muli %scan3A_39, %mul3A_40 : i32
      %add3A = arith.constant 0 : i32
      %add3A_42 = arith.addi %mul3A_41, %add3A : i32
      %dma_wait3A_43 = arith.constant 0 : i32
      %dma_wait3A_44 = arith.constant 0 : i32
      %dma_wait3A_45 = tpu.memref_slice %arg7[%dma_wait3A_43, %dma_wait3A_44] : memref<210x96xi32, #tpu.memory_space<vmem>> -> memref<1x96xi32, #tpu.memory_space<vmem>>
      %dma_wait3A_46 = tpu.memref_squeeze %dma_wait3A_45 : memref<1x96xi32, #tpu.memory_space<vmem>> -> memref<96xi32, #tpu.memory_space<vmem>>
      %dma_wait3A_47 = arith.constant 0 : i32
      %dma_wait3A_48 = arith.constant 0 : i32
      %dma_wait3A_49 = tpu.memref_slice %arg2[%arg0, %dma_wait3A_47, %dma_wait3A_48] : memref<2x10000x64xbf16, #tpu.memory_space<hbm>> -> memref<1x10000x64xbf16, #tpu.memory_space<hbm>>
      %dma_wait3A_50 = tpu.memref_squeeze %dma_wait3A_49 : memref<1x10000x64xbf16, #tpu.memory_space<hbm>> -> memref<10000x64xbf16, #tpu.memory_space<hbm>>
      %dma_wait3A_51 = arith.constant 0 : i32
      %dma_wait3A_52 = arith.constant 0 : i32
      %dma_wait3A_53 = tpu.memref_slice %dma_wait3A_50[%dma_wait3A_51, %dma_wait3A_52] : memref<10000x64xbf16, #tpu.memory_space<hbm>> -> memref<10000x64xbf16, #tpu.memory_space<hbm>>
      tpu.wait_indirect_dma semaphore(%arg17 : memref<!tpu.dma_semaphore, #tpu.memory_space<semaphore_mem>>) src(%dma_wait3A_53 : memref<10000x64xbf16, #tpu.memory_space<hbm>>) dst(%arg10 : memref<96x64xbf16, #tpu.memory_space<vmem>>)
      %add3A_54 = arith.constant 2 : i32
      %add3A_55 = arith.addi %add3A_42, %add3A_54 : i32
      %dma_start3A_56 = arith.constant 0 : i32
      %dma_start3A_57 = tpu.memref_slice %arg7[%add3A_55, %dma_start3A_56] : memref<210x96xi32, #tpu.memory_space<vmem>> -> memref<1x96xi32, #tpu.memory_space<vmem>>
      %dma_start3A_58 = tpu.memref_squeeze %dma_start3A_57 : memref<1x96xi32, #tpu.memory_space<vmem>> -> memref<96xi32, #tpu.memory_space<vmem>>
      %dma_start3A_59 = arith.constant 0 : i32
      %dma_start3A_60 = arith.constant 0 : i32
      %dma_start3A_61 = tpu.memref_slice %arg2[%arg0, %dma_start3A_59, %dma_start3A_60] : memref<2x10000x64xbf16, #tpu.memory_space<hbm>> -> memref<1x10000x64xbf16, #tpu.memory_space<hbm>>
      %dma_start3A_62 = tpu.memref_squeeze %dma_start3A_61 : memref<1x10000x64xbf16, #tpu.memory_space<hbm>> -> memref<10000x64xbf16, #tpu.memory_space<hbm>>
      %dma_start3A_63 = arith.constant 0 : i32
      %dma_start3A_64 = arith.constant 0 : i32
      %dma_start3A_65 = tpu.memref_slice %dma_start3A_62[%dma_start3A_63, %dma_start3A_64] : memref<10000x64xbf16, #tpu.memory_space<hbm>> -> memref<10000x64xbf16, #tpu.memory_space<hbm>>
      tpu.enqueue_indirect_dma source(%dma_start3A_65 : memref<10000x64xbf16, #tpu.memory_space<hbm>>) target(%arg12 : memref<96x64xbf16, #tpu.memory_space<vmem>>) offsets(%dma_start3A_58 : memref<96xi32, #tpu.memory_space<vmem>>) semaphore(%arg19 : memref<!tpu.dma_semaphore, #tpu.memory_space<semaphore_mem>>)
      %parallel_loop3A = arith.constant 0 : i32
      %parallel_loop3A_66 = arith.constant 96 : i32
      %parallel_loop3A_67 = arith.constant 1 : i32
      scf.for %parallel_loop3A_147 = %parallel_loop3A to %parallel_loop3A_66 step %parallel_loop3A_67  : i32 {
        %parallel_loop3A_148 = arith.index_cast %add3A_42 : i32 to index
        %parallel_loop3A_149 = arith.index_cast %parallel_loop3A_147 : i32 to index
        %parallel_loop3A_150 = tpu.vector_load %arg9[%parallel_loop3A_148, %parallel_loop3A_149] {strides = array<i32>} : memref<211x96xf32, #tpu.memory_space<vmem>>, vector<16xf32>,
        %parallel_loop3A_151 = vector.extract_strided_slice %parallel_loop3A_150 {offsets = [0], sizes = [1], strides = [1]} : vector<16xf32> to vector<1xf32>
        %parallel_loop3A_152 = vector.extract %parallel_loop3A_151[0] : f32 from vector<1xf32>
        %parallel_loop3A_153 = arith.index_cast %parallel_loop3A_147 : i32 to index
        %parallel_loop3A_154 = arith.constant 0 : index
        %parallel_loop3A_155 = tpu.vector_load %arg10[%parallel_loop3A_153, %parallel_loop3A_154] {strides = array<i32>} : memref<96x64xbf16, #tpu.memory_space<vmem>>, vector<32xbf16>,
        %parallel_loop3A_156 = tpu.unpack_subelements %parallel_loop3A_155, 0 {pack_format = #tpu.pack_format<interleaved>} : vector<32xbf16> -> vector<16xf32>
        %parallel_loop3A_157 = tpu.unpack_subelements %parallel_loop3A_155, 1 {pack_format = #tpu.pack_format<interleaved>} : vector<32xbf16> -> vector<16xf32>
        %parallel_loop3A_158 = vector.broadcast %parallel_loop3A_152 : f32 to vector<16xf32>
        %parallel_loop3A_159 = arith.mulf %parallel_loop3A_156, %parallel_loop3A_158 : vector<16xf32>
        %parallel_loop3A_160 = arith.index_cast %parallel_loop3A_147 : i32 to index
        %parallel_loop3A_161 = arith.constant 0 : index
        %parallel_loop3A_162 = tpu.vector_load %arg13[%parallel_loop3A_160, %parallel_loop3A_161] {strides = array<i32>} : memref<96x64xf32, #tpu.memory_space<vmem>>, vector<16xf32>,
        tpu.vector_store %arg13[%parallel_loop3A_160, %parallel_loop3A_161], %parallel_loop3A_159 {strides = array<i32>} : memref<96x64xf32, #tpu.memory_space<vmem>>, vector<16xf32>,
        %parallel_loop3A_163 = vector.broadcast %parallel_loop3A_152 : f32 to vector<16xf32>
        %parallel_loop3A_164 = arith.mulf %parallel_loop3A_157, %parallel_loop3A_163 : vector<16xf32>
        %parallel_loop3A_165 = arith.index_cast %parallel_loop3A_147 : i32 to index
        %parallel_loop3A_166 = arith.constant 16 : index
        %parallel_loop3A_167 = tpu.vector_load %arg13[%parallel_loop3A_165, %parallel_loop3A_166] {strides = array<i32>} : memref<96x64xf32, #tpu.memory_space<vmem>>, vector<16xf32>,
        tpu.vector_store %arg13[%parallel_loop3A_165, %parallel_loop3A_166], %parallel_loop3A_164 {strides = array<i32>} : memref<96x64xf32, #tpu.memory_space<vmem>>, vector<16xf32>,
        %parallel_loop3A_168 = arith.index_cast %parallel_loop3A_147 : i32 to index
        %parallel_loop3A_169 = arith.constant 32 : index
        %parallel_loop3A_170 = tpu.vector_load %arg10[%parallel_loop3A_168, %parallel_loop3A_169] {strides = array<i32>} : memref<96x64xbf16, #tpu.memory_space<vmem>>, vector<32xbf16>,
        %parallel_loop3A_171 = tpu.unpack_subelements %parallel_loop3A_170, 0 {pack_format = #tpu.pack_format<interleaved>} : vector<32xbf16> -> vector<16xf32>
        %parallel_loop3A_172 = tpu.unpack_subelements %parallel_loop3A_170, 1 {pack_format = #tpu.pack_format<interleaved>} : vector<32xbf16> -> vector<16xf32>
        %parallel_loop3A_173 = vector.broadcast %parallel_loop3A_152 : f32 to vector<16xf32>
        %parallel_loop3A_174 = arith.mulf %parallel_loop3A_171, %parallel_loop3A_173 : vector<16xf32>
        %parallel_loop3A_175 = arith.index_cast %parallel_loop3A_147 : i32 to index
        %parallel_loop3A_176 = arith.constant 32 : index
        %parallel_loop3A_177 = tpu.vector_load %arg13[%parallel_loop3A_175, %parallel_loop3A_176] {strides = array<i32>} : memref<96x64xf32, #tpu.memory_space<vmem>>, vector<16xf32>,
        tpu.vector_store %arg13[%parallel_loop3A_175, %parallel_loop3A_176], %parallel_loop3A_174 {strides = array<i32>} : memref<96x64xf32, #tpu.memory_space<vmem>>, vector<16xf32>,
        %parallel_loop3A_178 = vector.broadcast %parallel_loop3A_152 : f32 to vector<16xf32>
        %parallel_loop3A_179 = arith.mulf %parallel_loop3A_172, %parallel_loop3A_178 : vector<16xf32>
        %parallel_loop3A_180 = arith.index_cast %parallel_loop3A_147 : i32 to index
        %parallel_loop3A_181 = arith.constant 48 : index
        %parallel_loop3A_182 = tpu.vector_load %arg13[%parallel_loop3A_180, %parallel_loop3A_181] {strides = array<i32>} : memref<96x64xf32, #tpu.memory_space<vmem>>, vector<16xf32>,
        tpu.vector_store %arg13[%parallel_loop3A_180, %parallel_loop3A_181], %parallel_loop3A_179 {strides = array<i32>} : memref<96x64xf32, #tpu.memory_space<vmem>>, vector<16xf32>,
      } {sc.loop_unroll_factor = 4 : i64, sc.parallel_access}
      %ge3A = arith.constant 1 : i32
      %ge3A_68 = arith.cmpi sge, %scan3A_39, %ge3A : i32
      %convert_element_type3A = arith.extui %ge3A_68 : i1 to i32
      %cond3A = arith.constant 0 : i32
      %cond3A_69 = arith.cmpi ne, %convert_element_type3A, %cond3A : i32
      scf.if %cond3A_69 {
        %dma_wait3A_147 = arith.constant 0 : i32
        %dma_wait3A_148 = arith.constant 0 : i32
        %dma_wait3A_149 = tpu.memref_slice %arg8[%dma_wait3A_147, %dma_wait3A_148] : memref<210x96xi32, #tpu.memory_space<vmem>> -> memref<1x96xi32, #tpu.memory_space<vmem>>
        %dma_wait3A_150 = tpu.memref_squeeze %dma_wait3A_149 : memref<1x96xi32, #tpu.memory_space<vmem>> -> memref<96xi32, #tpu.memory_space<vmem>>
        %dma_wait3A_151 = arith.constant 0 : i32
        %dma_wait3A_152 = arith.constant 0 : i32
        %dma_wait3A_153 = tpu.memref_slice %arg16[%dma_wait3A_151, %dma_wait3A_152] : memref<10240x64xf32, #tpu.memory_space<vmem_shared>> -> memref<10240x64xf32, #tpu.memory_space<vmem_shared>>
        tpu.wait_indirect_dma semaphore(%arg22 : memref<!tpu.dma_semaphore, #tpu.memory_space<semaphore_mem>>) src(%arg15 : memref<96x64xf32, #tpu.memory_space<vmem>>) dst(%dma_wait3A_153 : memref<10240x64xf32, #tpu.memory_space<vmem_shared>>)
      } else {
      }
      %dma_start3A_70 = arith.constant 0 : i32
      %dma_start3A_71 = tpu.memref_slice %arg8[%add3A_42, %dma_start3A_70] : memref<210x96xi32, #tpu.memory_space<vmem>> -> memref<1x96xi32, #tpu.memory_space<vmem>>
      %dma_start3A_72 = tpu.memref_squeeze %dma_start3A_71 : memref<1x96xi32, #tpu.memory_space<vmem>> -> memref<96xi32, #tpu.memory_space<vmem>>
      %dma_start3A_73 = arith.constant 0 : i32
      %dma_start3A_74 = arith.constant 0 : i32
      %dma_start3A_75 = tpu.memref_slice %arg16[%dma_start3A_73, %dma_start3A_74] : memref<10240x64xf32, #tpu.memory_space<vmem_shared>> -> memref<10240x64xf32, #tpu.memory_space<vmem_shared>>
      tpu.enqueue_indirect_dma source(%arg13 : memref<96x64xf32, #tpu.memory_space<vmem>>) target(%dma_start3A_75 : memref<10240x64xf32, #tpu.memory_space<vmem_shared>>) offsets(%dma_start3A_72 : memref<96xi32, #tpu.memory_space<vmem>>) semaphore(%arg20 : memref<!tpu.dma_semaphore, #tpu.memory_space<semaphore_mem>>) {add = true}
      %mul3A_76 = arith.constant 3 : i32
      %mul3A_77 = arith.muli %scan3A_39, %mul3A_76 : i32
      %add3A_78 = arith.constant 1 : i32
      %add3A_79 = arith.addi %mul3A_77, %add3A_78 : i32
      %dma_wait3A_80 = arith.constant 0 : i32
      %dma_wait3A_81 = arith.constant 0 : i32
      %dma_wait3A_82 = tpu.memref_slice %arg7[%dma_wait3A_80, %dma_wait3A_81] : memref<210x96xi32, #tpu.memory_space<vmem>> -> memref<1x96xi32, #tpu.memory_space<vmem>>
      %dma_wait3A_83 = tpu.memref_squeeze %dma_wait3A_82 : memref<1x96xi32, #tpu.memory_space<vmem>> -> memref<96xi32, #tpu.memory_space<vmem>>
      %dma_wait3A_84 = arith.constant 0 : i32
      %dma_wait3A_85 = arith.constant 0 : i32
      %dma_wait3A_86 = tpu.memref_slice %arg2[%arg0, %dma_wait3A_84, %dma_wait3A_85] : memref<2x10000x64xbf16, #tpu.memory_space<hbm>> -> memref<1x10000x64xbf16, #tpu.memory_space<hbm>>
      %dma_wait3A_87 = tpu.memref_squeeze %dma_wait3A_86 : memref<1x10000x64xbf16, #tpu.memory_space<hbm>> -> memref<10000x64xbf16, #tpu.memory_space<hbm>>
      %dma_wait3A_88 = arith.constant 0 : i32
      %dma_wait3A_89 = arith.constant 0 : i32
      %dma_wait3A_90 = tpu.memref_slice %dma_wait3A_87[%dma_wait3A_88, %dma_wait3A_89] : memref<10000x64xbf16, #tpu.memory_space<hbm>> -> memref<10000x64xbf16, #tpu.memory_space<hbm>>
      tpu.wait_indirect_dma semaphore(%arg18 : memref<!tpu.dma_semaphore, #tpu.memory_space<semaphore_mem>>) src(%dma_wait3A_90 : memref<10000x64xbf16, #tpu.memory_space<hbm>>) dst(%arg11 : memref<96x64xbf16, #tpu.memory_space<vmem>>)
      %lt3A = arith.constant 69 : i32
      %lt3A_91 = arith.cmpi slt, %scan3A_39, %lt3A : i32
      %convert_element_type3A_92 = arith.extui %lt3A_91 : i1 to i32
      %cond3A_93 = arith.constant 0 : i32
      %cond3A_94 = arith.cmpi ne, %convert_element_type3A_92, %cond3A_93 : i32
      scf.if %cond3A_94 {
        %add3A_147 = arith.constant 2 : i32
        %add3A_148 = arith.addi %add3A_79, %add3A_147 : i32
        %dma_start3A_149 = arith.constant 0 : i32
        %dma_start3A_150 = tpu.memref_slice %arg7[%add3A_148, %dma_start3A_149] : memref<210x96xi32, #tpu.memory_space<vmem>> -> memref<1x96xi32, #tpu.memory_space<vmem>>
        %dma_start3A_151 = tpu.memref_squeeze %dma_start3A_150 : memref<1x96xi32, #tpu.memory_space<vmem>> -> memref<96xi32, #tpu.memory_space<vmem>>
        %dma_start3A_152 = arith.constant 0 : i32
        %dma_start3A_153 = arith.constant 0 : i32
        %dma_start3A_154 = tpu.memref_slice %arg2[%arg0, %dma_start3A_152, %dma_start3A_153] : memref<2x10000x64xbf16, #tpu.memory_space<hbm>> -> memref<1x10000x64xbf16, #tpu.memory_space<hbm>>
        %dma_start3A_155 = tpu.memref_squeeze %dma_start3A_154 : memref<1x10000x64xbf16, #tpu.memory_space<hbm>> -> memref<10000x64xbf16, #tpu.memory_space<hbm>>
        %dma_start3A_156 = arith.constant 0 : i32
        %dma_start3A_157 = arith.constant 0 : i32
        %dma_start3A_158 = tpu.memref_slice %dma_start3A_155[%dma_start3A_156, %dma_start3A_157] : memref<10000x64xbf16, #tpu.memory_space<hbm>> -> memref<10000x64xbf16, #tpu.memory_space<hbm>>
        tpu.enqueue_indirect_dma source(%dma_start3A_158 : memref<10000x64xbf16, #tpu.memory_space<hbm>>) target(%arg10 : memref<96x64xbf16, #tpu.memory_space<vmem>>) offsets(%dma_start3A_151 : memref<96xi32, #tpu.memory_space<vmem>>) semaphore(%arg17 : memref<!tpu.dma_semaphore, #tpu.memory_space<semaphore_mem>>)
      } else {
      }
      %parallel_loop3A_95 = arith.constant 0 : i32
      %parallel_loop3A_96 = arith.constant 96 : i32
      %parallel_loop3A_97 = arith.constant 1 : i32
      scf.for %parallel_loop3A_147 = %parallel_loop3A_95 to %parallel_loop3A_96 step %parallel_loop3A_97  : i32 {
        %parallel_loop3A_148 = arith.index_cast %add3A_79 : i32 to index
        %parallel_loop3A_149 = arith.index_cast %parallel_loop3A_147 : i32 to index
        %parallel_loop3A_150 = tpu.vector_load %arg9[%parallel_loop3A_148, %parallel_loop3A_149] {strides = array<i32>} : memref<211x96xf32, #tpu.memory_space<vmem>>, vector<16xf32>,
        %parallel_loop3A_151 = vector.extract_strided_slice %parallel_loop3A_150 {offsets = [0], sizes = [1], strides = [1]} : vector<16xf32> to vector<1xf32>
        %parallel_loop3A_152 = vector.extract %parallel_loop3A_151[0] : f32 from vector<1xf32>
        %parallel_loop3A_153 = arith.index_cast %parallel_loop3A_147 : i32 to index
        %parallel_loop3A_154 = arith.constant 0 : index
        %parallel_loop3A_155 = tpu.vector_load %arg11[%parallel_loop3A_153, %parallel_loop3A_154] {strides = array<i32>} : memref<96x64xbf16, #tpu.memory_space<vmem>>, vector<32xbf16>,
        %parallel_loop3A_156 = tpu.unpack_subelements %parallel_loop3A_155, 0 {pack_format = #tpu.pack_format<interleaved>} : vector<32xbf16> -> vector<16xf32>
        %parallel_loop3A_157 = tpu.unpack_subelements %parallel_loop3A_155, 1 {pack_format = #tpu.pack_format<interleaved>} : vector<32xbf16> -> vector<16xf32>
        %parallel_loop3A_158 = vector.broadcast %parallel_loop3A_152 : f32 to vector<16xf32>
        %parallel_loop3A_159 = arith.mulf %parallel_loop3A_156, %parallel_loop3A_158 : vector<16xf32>
        %parallel_loop3A_160 = arith.index_cast %parallel_loop3A_147 : i32 to index
        %parallel_loop3A_161 = arith.constant 0 : index
        %parallel_loop3A_162 = tpu.vector_load %arg14[%parallel_loop3A_160, %parallel_loop3A_161] {strides = array<i32>} : memref<96x64xf32, #tpu.memory_space<vmem>>, vector<16xf32>,
        tpu.vector_store %arg14[%parallel_loop3A_160, %parallel_loop3A_161], %parallel_loop3A_159 {strides = array<i32>} : memref<96x64xf32, #tpu.memory_space<vmem>>, vector<16xf32>,
        %parallel_loop3A_163 = vector.broadcast %parallel_loop3A_152 : f32 to vector<16xf32>
        %parallel_loop3A_164 = arith.mulf %parallel_loop3A_157, %parallel_loop3A_163 : vector<16xf32>
        %parallel_loop3A_165 = arith.index_cast %parallel_loop3A_147 : i32 to index
        %parallel_loop3A_166 = arith.constant 16 : index
        %parallel_loop3A_167 = tpu.vector_load %arg14[%parallel_loop3A_165, %parallel_loop3A_166] {strides = array<i32>} : memref<96x64xf32, #tpu.memory_space<vmem>>, vector<16xf32>,
        tpu.vector_store %arg14[%parallel_loop3A_165, %parallel_loop3A_166], %parallel_loop3A_164 {strides = array<i32>} : memref<96x64xf32, #tpu.memory_space<vmem>>, vector<16xf32>,
        %parallel_loop3A_168 = arith.index_cast %parallel_loop3A_147 : i32 to index
        %parallel_loop3A_169 = arith.constant 32 : index
        %parallel_loop3A_170 = tpu.vector_load %arg11[%parallel_loop3A_168, %parallel_loop3A_169] {strides = array<i32>} : memref<96x64xbf16, #tpu.memory_space<vmem>>, vector<32xbf16>,
        %parallel_loop3A_171 = tpu.unpack_subelements %parallel_loop3A_170, 0 {pack_format = #tpu.pack_format<interleaved>} : vector<32xbf16> -> vector<16xf32>
        %parallel_loop3A_172 = tpu.unpack_subelements %parallel_loop3A_170, 1 {pack_format = #tpu.pack_format<interleaved>} : vector<32xbf16> -> vector<16xf32>
        %parallel_loop3A_173 = vector.broadcast %parallel_loop3A_152 : f32 to vector<16xf32>
        %parallel_loop3A_174 = arith.mulf %parallel_loop3A_171, %parallel_loop3A_173 : vector<16xf32>
        %parallel_loop3A_175 = arith.index_cast %parallel_loop3A_147 : i32 to index
        %parallel_loop3A_176 = arith.constant 32 : index
        %parallel_loop3A_177 = tpu.vector_load %arg14[%parallel_loop3A_175, %parallel_loop3A_176] {strides = array<i32>} : memref<96x64xf32, #tpu.memory_space<vmem>>, vector<16xf32>,
        tpu.vector_store %arg14[%parallel_loop3A_175, %parallel_loop3A_176], %parallel_loop3A_174 {strides = array<i32>} : memref<96x64xf32, #tpu.memory_space<vmem>>, vector<16xf32>,
        %parallel_loop3A_178 = vector.broadcast %parallel_loop3A_152 : f32 to vector<16xf32>
        %parallel_loop3A_179 = arith.mulf %parallel_loop3A_172, %parallel_loop3A_178 : vector<16xf32>
        %parallel_loop3A_180 = arith.index_cast %parallel_loop3A_147 : i32 to index
        %parallel_loop3A_181 = arith.constant 48 : index
        %parallel_loop3A_182 = tpu.vector_load %arg14[%parallel_loop3A_180, %parallel_loop3A_181] {strides = array<i32>} : memref<96x64xf32, #tpu.memory_space<vmem>>, vector<16xf32>,
        tpu.vector_store %arg14[%parallel_loop3A_180, %parallel_loop3A_181], %parallel_loop3A_179 {strides = array<i32>} : memref<96x64xf32, #tpu.memory_space<vmem>>, vector<16xf32>,
      } {sc.loop_unroll_factor = 4 : i64, sc.parallel_access}
      %dma_wait3A_98 = arith.constant 0 : i32
      %dma_wait3A_99 = arith.constant 0 : i32
      %dma_wait3A_100 = tpu.memref_slice %arg8[%dma_wait3A_98, %dma_wait3A_99] : memref<210x96xi32, #tpu.memory_space<vmem>> -> memref<1x96xi32, #tpu.memory_space<vmem>>
      %dma_wait3A_101 = tpu.memref_squeeze %dma_wait3A_100 : memref<1x96xi32, #tpu.memory_space<vmem>> -> memref<96xi32, #tpu.memory_space<vmem>>
      %dma_wait3A_102 = arith.constant 0 : i32
      %dma_wait3A_103 = arith.constant 0 : i32
      %dma_wait3A_104 = tpu.memref_slice %arg16[%dma_wait3A_102, %dma_wait3A_103] : memref<10240x64xf32, #tpu.memory_space<vmem_shared>> -> memref<10240x64xf32, #tpu.memory_space<vmem_shared>>
      tpu.wait_indirect_dma semaphore(%arg20 : memref<!tpu.dma_semaphore, #tpu.memory_space<semaphore_mem>>) src(%arg13 : memref<96x64xf32, #tpu.memory_space<vmem>>) dst(%dma_wait3A_104 : memref<10240x64xf32, #tpu.memory_space<vmem_shared>>)
      %dma_start3A_105 = arith.constant 0 : i32
      %dma_start3A_106 = tpu.memref_slice %arg8[%add3A_79, %dma_start3A_105] : memref<210x96xi32, #tpu.memory_space<vmem>> -> memref<1x96xi32, #tpu.memory_space<vmem>>
      %dma_start3A_107 = tpu.memref_squeeze %dma_start3A_106 : memref<1x96xi32, #tpu.memory_space<vmem>> -> memref<96xi32, #tpu.memory_space<vmem>>
      %dma_start3A_108 = arith.constant 0 : i32
      %dma_start3A_109 = arith.constant 0 : i32
      %dma_start3A_110 = tpu.memref_slice %arg16[%dma_start3A_108, %dma_start3A_109] : memref<10240x64xf32, #tpu.memory_space<vmem_shared>> -> memref<10240x64xf32, #tpu.memory_space<vmem_shared>>
      tpu.enqueue_indirect_dma source(%arg14 : memref<96x64xf32, #tpu.memory_space<vmem>>) target(%dma_start3A_110 : memref<10240x64xf32, #tpu.memory_space<vmem_shared>>) offsets(%dma_start3A_107 : memref<96xi32, #tpu.memory_space<vmem>>) semaphore(%arg21 : memref<!tpu.dma_semaphore, #tpu.memory_space<semaphore_mem>>) {add = true}
      %mul3A_111 = arith.constant 3 : i32
      %mul3A_112 = arith.muli %scan3A_39, %mul3A_111 : i32
      %add3A_113 = arith.constant 2 : i32
      %add3A_114 = arith.addi %mul3A_112, %add3A_113 : i32
      %dma_wait3A_115 = arith.constant 0 : i32
      %dma_wait3A_116 = arith.constant 0 : i32
      %dma_wait3A_117 = tpu.memref_slice %arg7[%dma_wait3A_115, %dma_wait3A_116] : memref<210x96xi32, #tpu.memory_space<vmem>> -> memref<1x96xi32, #tpu.memory_space<vmem>>
      %dma_wait3A_118 = tpu.memref_squeeze %dma_wait3A_117 : memref<1x96xi32, #tpu.memory_space<vmem>> -> memref<96xi32, #tpu.memory_space<vmem>>
      %dma_wait3A_119 = arith.constant 0 : i32
      %dma_wait3A_120 = arith.constant 0 : i32
      %dma_wait3A_121 = tpu.memref_slice %arg2[%arg0, %dma_wait3A_119, %dma_wait3A_120] : memref<2x10000x64xbf16, #tpu.memory_space<hbm>> -> memref<1x10000x64xbf16, #tpu.memory_space<hbm>>
      %dma_wait3A_122 = tpu.memref_squeeze %dma_wait3A_121 : memref<1x10000x64xbf16, #tpu.memory_space<hbm>> -> memref<10000x64xbf16, #tpu.memory_space<hbm>>
      %dma_wait3A_123 = arith.constant 0 : i32
      %dma_wait3A_124 = arith.constant 0 : i32
      %dma_wait3A_125 = tpu.memref_slice %dma_wait3A_122[%dma_wait3A_123, %dma_wait3A_124] : memref<10000x64xbf16, #tpu.memory_space<hbm>> -> memref<10000x64xbf16, #tpu.memory_space<hbm>>
      tpu.wait_indirect_dma semaphore(%arg19 : memref<!tpu.dma_semaphore, #tpu.memory_space<semaphore_mem>>) src(%dma_wait3A_125 : memref<10000x64xbf16, #tpu.memory_space<hbm>>) dst(%arg12 : memref<96x64xbf16, #tpu.memory_space<vmem>>)
      %lt3A_126 = arith.constant 69 : i32
      %lt3A_127 = arith.cmpi slt, %scan3A_39, %lt3A_126 : i32
      %convert_element_type3A_128 = arith.extui %lt3A_127 : i1 to i32
      %cond3A_129 = arith.constant 0 : i32
      %cond3A_130 = arith.cmpi ne, %convert_element_type3A_128, %cond3A_129 : i32
      scf.if %cond3A_130 {
        %add3A_147 = arith.constant 2 : i32
        %add3A_148 = arith.addi %add3A_114, %add3A_147 : i32
        %dma_start3A_149 = arith.constant 0 : i32
        %dma_start3A_150 = tpu.memref_slice %arg7[%add3A_148, %dma_start3A_149] : memref<210x96xi32, #tpu.memory_space<vmem>> -> memref<1x96xi32, #tpu.memory_space<vmem>>
        %dma_start3A_151 = tpu.memref_squeeze %dma_start3A_150 : memref<1x96xi32, #tpu.memory_space<vmem>> -> memref<96xi32, #tpu.memory_space<vmem>>
        %dma_start3A_152 = arith.constant 0 : i32
        %dma_start3A_153 = arith.constant 0 : i32
        %dma_start3A_154 = tpu.memref_slice %arg2[%arg0, %dma_start3A_152, %dma_start3A_153] : memref<2x10000x64xbf16, #tpu.memory_space<hbm>> -> memref<1x10000x64xbf16, #tpu.memory_space<hbm>>
        %dma_start3A_155 = tpu.memref_squeeze %dma_start3A_154 : memref<1x10000x64xbf16, #tpu.memory_space<hbm>> -> memref<10000x64xbf16, #tpu.memory_space<hbm>>
        %dma_start3A_156 = arith.constant 0 : i32
        %dma_start3A_157 = arith.constant 0 : i32
        %dma_start3A_158 = tpu.memref_slice %dma_start3A_155[%dma_start3A_156, %dma_start3A_157] : memref<10000x64xbf16, #tpu.memory_space<hbm>> -> memref<10000x64xbf16, #tpu.memory_space<hbm>>
        tpu.enqueue_indirect_dma source(%dma_start3A_158 : memref<10000x64xbf16, #tpu.memory_space<hbm>>) target(%arg11 : memref<96x64xbf16, #tpu.memory_space<vmem>>) offsets(%dma_start3A_151 : memref<96xi32, #tpu.memory_space<vmem>>) semaphore(%arg18 : memref<!tpu.dma_semaphore, #tpu.memory_space<semaphore_mem>>)
      } else {
      }
      %parallel_loop3A_131 = arith.constant 0 : i32
      %parallel_loop3A_132 = arith.constant 96 : i32
      %parallel_loop3A_133 = arith.constant 1 : i32
      scf.for %parallel_loop3A_147 = %parallel_loop3A_131 to %parallel_loop3A_132 step %parallel_loop3A_133  : i32 {
        %parallel_loop3A_148 = arith.index_cast %add3A_114 : i32 to index
        %parallel_loop3A_149 = arith.index_cast %parallel_loop3A_147 : i32 to index
        %parallel_loop3A_150 = tpu.vector_load %arg9[%parallel_loop3A_148, %parallel_loop3A_149] {strides = array<i32>} : memref<211x96xf32, #tpu.memory_space<vmem>>, vector<16xf32>,
        %parallel_loop3A_151 = vector.extract_strided_slice %parallel_loop3A_150 {offsets = [0], sizes = [1], strides = [1]} : vector<16xf32> to vector<1xf32>
        %parallel_loop3A_152 = vector.extract %parallel_loop3A_151[0] : f32 from vector<1xf32>
        %parallel_loop3A_153 = arith.index_cast %parallel_loop3A_147 : i32 to index
        %parallel_loop3A_154 = arith.constant 0 : index
        %parallel_loop3A_155 = tpu.vector_load %arg12[%parallel_loop3A_153, %parallel_loop3A_154] {strides = array<i32>} : memref<96x64xbf16, #tpu.memory_space<vmem>>, vector<32xbf16>,
        %parallel_loop3A_156 = tpu.unpack_subelements %parallel_loop3A_155, 0 {pack_format = #tpu.pack_format<interleaved>} : vector<32xbf16> -> vector<16xf32>
        %parallel_loop3A_157 = tpu.unpack_subelements %parallel_loop3A_155, 1 {pack_format = #tpu.pack_format<interleaved>} : vector<32xbf16> -> vector<16xf32>
        %parallel_loop3A_158 = vector.broadcast %parallel_loop3A_152 : f32 to vector<16xf32>
        %parallel_loop3A_159 = arith.mulf %parallel_loop3A_156, %parallel_loop3A_158 : vector<16xf32>
        %parallel_loop3A_160 = arith.index_cast %parallel_loop3A_147 : i32 to index
        %parallel_loop3A_161 = arith.constant 0 : index
        %parallel_loop3A_162 = tpu.vector_load %arg15[%parallel_loop3A_160, %parallel_loop3A_161] {strides = array<i32>} : memref<96x64xf32, #tpu.memory_space<vmem>>, vector<16xf32>,
        tpu.vector_store %arg15[%parallel_loop3A_160, %parallel_loop3A_161], %parallel_loop3A_159 {strides = array<i32>} : memref<96x64xf32, #tpu.memory_space<vmem>>, vector<16xf32>,
        %parallel_loop3A_163 = vector.broadcast %parallel_loop3A_152 : f32 to vector<16xf32>
        %parallel_loop3A_164 = arith.mulf %parallel_loop3A_157, %parallel_loop3A_163 : vector<16xf32>
        %parallel_loop3A_165 = arith.index_cast %parallel_loop3A_147 : i32 to index
        %parallel_loop3A_166 = arith.constant 16 : index
        %parallel_loop3A_167 = tpu.vector_load %arg15[%parallel_loop3A_165, %parallel_loop3A_166] {strides = array<i32>} : memref<96x64xf32, #tpu.memory_space<vmem>>, vector<16xf32>,
        tpu.vector_store %arg15[%parallel_loop3A_165, %parallel_loop3A_166], %parallel_loop3A_164 {strides = array<i32>} : memref<96x64xf32, #tpu.memory_space<vmem>>, vector<16xf32>,
        %parallel_loop3A_168 = arith.index_cast %parallel_loop3A_147 : i32 to index
        %parallel_loop3A_169 = arith.constant 32 : index
        %parallel_loop3A_170 = tpu.vector_load %arg12[%parallel_loop3A_168, %parallel_loop3A_169] {strides = array<i32>} : memref<96x64xbf16, #tpu.memory_space<vmem>>, vector<32xbf16>,
        %parallel_loop3A_171 = tpu.unpack_subelements %parallel_loop3A_170, 0 {pack_format = #tpu.pack_format<interleaved>} : vector<32xbf16> -> vector<16xf32>
        %parallel_loop3A_172 = tpu.unpack_subelements %parallel_loop3A_170, 1 {pack_format = #tpu.pack_format<interleaved>} : vector<32xbf16> -> vector<16xf32>
        %parallel_loop3A_173 = vector.broadcast %parallel_loop3A_152 : f32 to vector<16xf32>
        %parallel_loop3A_174 = arith.mulf %parallel_loop3A_171, %parallel_loop3A_173 : vector<16xf32>
        %parallel_loop3A_175 = arith.index_cast %parallel_loop3A_147 : i32 to index
        %parallel_loop3A_176 = arith.constant 32 : index
        %parallel_loop3A_177 = tpu.vector_load %arg15[%parallel_loop3A_175, %parallel_loop3A_176] {strides = array<i32>} : memref<96x64xf32, #tpu.memory_space<vmem>>, vector<16xf32>,
        tpu.vector_store %arg15[%parallel_loop3A_175, %parallel_loop3A_176], %parallel_loop3A_174 {strides = array<i32>} : memref<96x64xf32, #tpu.memory_space<vmem>>, vector<16xf32>,
        %parallel_loop3A_178 = vector.broadcast %parallel_loop3A_152 : f32 to vector<16xf32>
        %parallel_loop3A_179 = arith.mulf %parallel_loop3A_172, %parallel_loop3A_178 : vector<16xf32>
        %parallel_loop3A_180 = arith.index_cast %parallel_loop3A_147 : i32 to index
        %parallel_loop3A_181 = arith.constant 48 : index
        %parallel_loop3A_182 = tpu.vector_load %arg15[%parallel_loop3A_180, %parallel_loop3A_181] {strides = array<i32>} : memref<96x64xf32, #tpu.memory_space<vmem>>, vector<16xf32>,
        tpu.vector_store %arg15[%parallel_loop3A_180, %parallel_loop3A_181], %parallel_loop3A_179 {strides = array<i32>} : memref<96x64xf32, #tpu.memory_space<vmem>>, vector<16xf32>,
      } {sc.loop_unroll_factor = 4 : i64, sc.parallel_access}
      %dma_wait3A_134 = arith.constant 0 : i32
      %dma_wait3A_135 = arith.constant 0 : i32
      %dma_wait3A_136 = tpu.memref_slice %arg8[%dma_wait3A_134, %dma_wait3A_135] : memref<210x96xi32, #tpu.memory_space<vmem>> -> memref<1x96xi32, #tpu.memory_space<vmem>>
      %dma_wait3A_137 = tpu.memref_squeeze %dma_wait3A_136 : memref<1x96xi32, #tpu.memory_space<vmem>> -> memref<96xi32, #tpu.memory_space<vmem>>
      %dma_wait3A_138 = arith.constant 0 : i32
      %dma_wait3A_139 = arith.constant 0 : i32
      %dma_wait3A_140 = tpu.memref_slice %arg16[%dma_wait3A_138, %dma_wait3A_139] : memref<10240x64xf32, #tpu.memory_space<vmem_shared>> -> memref<10240x64xf32, #tpu.memory_space<vmem_shared>>
      tpu.wait_indirect_dma semaphore(%arg21 : memref<!tpu.dma_semaphore, #tpu.memory_space<semaphore_mem>>) src(%arg14 : memref<96x64xf32, #tpu.memory_space<vmem>>) dst(%dma_wait3A_140 : memref<10240x64xf32, #tpu.memory_space<vmem_shared>>)
      %dma_start3A_141 = arith.constant 0 : i32
      %dma_start3A_142 = tpu.memref_slice %arg8[%add3A_114, %dma_start3A_141] : memref<210x96xi32, #tpu.memory_space<vmem>> -> memref<1x96xi32, #tpu.memory_space<vmem>>
      %dma_start3A_143 = tpu.memref_squeeze %dma_start3A_142 : memref<1x96xi32, #tpu.memory_space<vmem>> -> memref<96xi32, #tpu.memory_space<vmem>>
      %dma_start3A_144 = arith.constant 0 : i32
      %dma_start3A_145 = arith.constant 0 : i32
      %dma_start3A_146 = tpu.memref_slice %arg16[%dma_start3A_144, %dma_start3A_145] : memref<10240x64xf32, #tpu.memory_space<vmem_shared>> -> memref<10240x64xf32, #tpu.memory_space<vmem_shared>>
      tpu.enqueue_indirect_dma source(%arg15 : memref<96x64xf32, #tpu.memory_space<vmem>>) target(%dma_start3A_146 : memref<10240x64xf32, #tpu.memory_space<vmem_shared>>) offsets(%dma_start3A_143 : memref<96xi32, #tpu.memory_space<vmem>>) semaphore(%arg22 : memref<!tpu.dma_semaphore, #tpu.memory_space<semaphore_mem>>) {add = true}
    }
    %scan3A_27 = arith.constant 70 : i32
    %dma_wait3A = arith.constant 0 : i32
    %dma_wait3A_28 = arith.constant 0 : i32
    %dma_wait3A_29 = tpu.memref_slice %arg8[%dma_wait3A, %dma_wait3A_28] : memref<210x96xi32, #tpu.memory_space<vmem>> -> memref<1x96xi32, #tpu.memory_space<vmem>>
    %dma_wait3A_30 = tpu.memref_squeeze %dma_wait3A_29 : memref<1x96xi32, #tpu.memory_space<vmem>> -> memref<96xi32, #tpu.memory_space<vmem>>
    %dma_wait3A_31 = arith.constant 0 : i32
    %dma_wait3A_32 = arith.constant 0 : i32
    %dma_wait3A_33 = tpu.memref_slice %arg16[%dma_wait3A_31, %dma_wait3A_32] : memref<10240x64xf32, #tpu.memory_space<vmem_shared>> -> memref<10240x64xf32, #tpu.memory_space<vmem_shared>>
    tpu.wait_indirect_dma semaphore(%arg22 : memref<!tpu.dma_semaphore, #tpu.memory_space<semaphore_mem>>) src(%arg15 : memref<96x64xf32, #tpu.memory_space<vmem>>) dst(%dma_wait3A_33 : memref<10240x64xf32, #tpu.memory_space<vmem_shared>>)
    %barrier3A_34 = arith.constant 0 : index
    tpu.barrier barrier_id(%barrier3A_34)
    %mul3A_35 = arith.constant 640 : i32
    %mul3A_36 = arith.muli %arg1, %mul3A_35 : i32
    %mul3A_37 = arith.constant 640 : i32
    %mul3A_38 = arith.muli %arg1, %mul3A_37 : i32
    "tpu.region"() ({
      %run_scoped3A_39 = tpu.sem_alloc : memref<!tpu.dma_semaphore, #tpu.memory_space<semaphore_mem>>
      %dma_start3A_40 = arith.constant 0 : i32
      %dma_start3A_41 = tpu.memref_slice %arg6[%arg0, %mul3A_38, %dma_start3A_40] : memref<2x10240x64xf32, #tpu.memory_space<hbm>> -> memref<1x640x64xf32, #tpu.memory_space<hbm>>
      %dma_start3A_42 = tpu.memref_squeeze %dma_start3A_41 : memref<1x640x64xf32, #tpu.memory_space<hbm>> -> memref<640x64xf32, #tpu.memory_space<hbm>>
      %dma_start3A_43 = arith.constant 0 : i32
      %dma_start3A_44 = tpu.memref_slice %arg16[%mul3A_36, %dma_start3A_43] : memref<10240x64xf32, #tpu.memory_space<vmem_shared>> -> memref<640x64xf32, #tpu.memory_space<vmem_shared>>
      tpu.enqueue_dma source(%dma_start3A_44 : memref<640x64xf32, #tpu.memory_space<vmem_shared>>) target(%dma_start3A_42 : memref<640x64xf32, #tpu.memory_space<hbm>>) target_semaphore(%run_scoped3A_39 : memref<!tpu.dma_semaphore, #tpu.memory_space<semaphore_mem>>)
      %dma_wait3A_45 = arith.constant 0 : i32
      %dma_wait3A_46 = tpu.memref_slice %arg6[%arg0, %mul3A_38, %dma_wait3A_45] : memref<2x10240x64xf32, #tpu.memory_space<hbm>> -> memref<1x640x64xf32, #tpu.memory_space<hbm>>
      %dma_wait3A_47 = tpu.memref_squeeze %dma_wait3A_46 : memref<1x640x64xf32, #tpu.memory_space<hbm>> -> memref<640x64xf32, #tpu.memory_space<hbm>>
      %dma_wait3A_48 = arith.constant 0 : i32
      %dma_wait3A_49 = tpu.memref_slice %arg16[%mul3A_36, %dma_wait3A_48] : memref<10240x64xf32, #tpu.memory_space<vmem_shared>> -> memref<640x64xf32, #tpu.memory_space<vmem_shared>>
      tpu.wait_dma2 semaphore(%run_scoped3A_39 : memref<!tpu.dma_semaphore, #tpu.memory_space<semaphore_mem>>) src(%dma_wait3A_49 : memref<640x64xf32, #tpu.memory_space<vmem_shared>>) dst(%dma_wait3A_47 : memref<640x64xf32, #tpu.memory_space<hbm>>)
      tpu.yield
    }) : () -> ()
    return
  }
}

module attributes {stable_mosaic.version = 14 : i64} {
  func.func @_tc_finish(%arg0: i32, %arg1: memref<2x1000x64xf32, #tpu.memory_space<vmem>>, %arg2: memref<2x64x128xf32, #tpu.memory_space<vmem>>, %arg3: memref<1x128xf32, #tpu.memory_space<vmem>>, %arg4: memref<1000x128xf32, #tpu.memory_space<vmem>>) attributes {dimension_semantics = [#tpu.dimension_semantics<arbitrary>], iteration_bounds = array<i64: 10>, scalar_prefetch = 0 : i64, scratch_operands = 0 : i64, tpu.core_type = #tpu.core_type<tc>, window_params = [{transform_indices = @transform_0, window_bounds = array<i64: 2, 1000, 64>}, {pipeline_mode = #tpu.pipeline_mode<synchronous>, transform_indices = @transform_1, window_bounds = array<i64: 2, 64, 128>}, {pipeline_mode = #tpu.pipeline_mode<synchronous>, transform_indices = @transform_2, window_bounds = array<i64: 1, 128>}, {transform_indices = @transform_3, window_bounds = array<i64: 1000, 128>}]} {
    %get3A = arith.constant 0 : index
    %get3A_0 = arith.constant 0 : index
    %get3A_1 = arith.constant 0 : index
    %get3A_2 = vector.load %arg1[%get3A, %get3A_0, %get3A_1] : memref<2x1000x64xf32, #tpu.memory_space<vmem>>, vector<1x1000x64xf32>
    %get3A_3 = vector.shape_cast %get3A_2 : vector<1x1000x64xf32> to vector<1000x64xf32>
    %get3A_4 = arith.constant 0 : index
    %get3A_5 = arith.constant 0 : index
    %get3A_6 = arith.constant 0 : index
    %get3A_7 = vector.load %arg2[%get3A_4, %get3A_5, %get3A_6] : memref<2x64x128xf32, #tpu.memory_space<vmem>>, vector<1x64x128xf32>
    %get3A_8 = vector.shape_cast %get3A_7 : vector<1x64x128xf32> to vector<64x128xf32>
    %dot_general3A = arith.constant dense<0.000000e+00> : vector<1000x128xf32>
    %dot_general3A_9 = tpu.matmul %get3A_3, %get3A_8, %dot_general3A {dimension_numbers = #tpu.dot_dimension_numbers<[1], [0], [0], [1], [0, 0, 1, 1], [], []>, transpose_lhs_hint = false} : vector<1000x64xf32>, vector<64x128xf32>, vector<1000x128xf32> -> vector<1000x128xf32>
    %get3A_10 = arith.constant 1 : index
    %get3A_11 = arith.constant 0 : index
    %get3A_12 = arith.constant 0 : index
    %get3A_13 = vector.load %arg1[%get3A_10, %get3A_11, %get3A_12] : memref<2x1000x64xf32, #tpu.memory_space<vmem>>, vector<1x1000x64xf32>
    %get3A_14 = vector.shape_cast %get3A_13 : vector<1x1000x64xf32> to vector<1000x64xf32>
    %get3A_15 = arith.constant 1 : index
    %get3A_16 = arith.constant 0 : index
    %get3A_17 = arith.constant 0 : index
    %get3A_18 = vector.load %arg2[%get3A_15, %get3A_16, %get3A_17] : memref<2x64x128xf32, #tpu.memory_space<vmem>>, vector<1x64x128xf32>
    %get3A_19 = vector.shape_cast %get3A_18 : vector<1x64x128xf32> to vector<64x128xf32>
    %dot_general3A_20 = arith.constant dense<0.000000e+00> : vector<1000x128xf32>
    %dot_general3A_21 = tpu.matmul %get3A_14, %get3A_19, %dot_general3A_20 {dimension_numbers = #tpu.dot_dimension_numbers<[1], [0], [0], [1], [0, 0, 1, 1], [], []>, transpose_lhs_hint = false} : vector<1000x64xf32>, vector<64x128xf32>, vector<1000x128xf32> -> vector<1000x128xf32>
    %add3A = arith.addf %dot_general3A_9, %dot_general3A_21 : vector<1000x128xf32>
    %get3A_22 = arith.constant 0 : index
    %get3A_23 = arith.constant 0 : index
    %get3A_24 = vector.load %arg3[%get3A_22, %get3A_23] : memref<1x128xf32, #tpu.memory_space<vmem>>, vector<1x128xf32>
    %add3A_25 = vector.broadcast %get3A_24 : vector<1x128xf32> to vector<1000x128xf32>
    %add3A_26 = arith.addf %add3A, %add3A_25 : vector<1000x128xf32>
    %max3A = arith.constant 0.000000e+00 : f32
    %max3A_27 = vector.broadcast %max3A : f32 to vector<1000x128xf32>
    %max3A_28 = arith.maximumf %add3A_26, %max3A_27 : vector<1000x128xf32>
    %swap3A = arith.constant 0 : index
    %swap3A_29 = arith.constant 0 : index
    %swap3A_30 = vector.load %arg4[%swap3A, %swap3A_29] : memref<1000x128xf32, #tpu.memory_space<vmem>>, vector<1000x128xf32>
    tpu.vector_store %arg4[%swap3A, %swap3A_29], %max3A_28 {strides = array<i32>} : memref<1000x128xf32, #tpu.memory_space<vmem>>, vector<1000x128xf32>,
    return
  }
  func.func @transform_0(%arg0: i32) -> (i32, i32, i32) {
    %c0_i32 = arith.constant 0 : i32
    %c0_i32_0 = arith.constant 0 : i32
    %c0_i32_1 = arith.constant 0 : i32
    return %c0_i32, %arg0, %c0_i32_0 : i32, i32, i32
  }
  func.func @transform_1(%arg0: i32) -> (i32, i32, i32) {
    %c0_i32 = arith.constant 0 : i32
    %c0_i32_0 = arith.constant 0 : i32
    %c0_i32_1 = arith.constant 0 : i32
    %c0_i32_2 = arith.constant 0 : i32
    return %c0_i32, %c0_i32_0, %c0_i32_1 : i32, i32, i32
  }
  func.func @transform_2(%arg0: i32) -> (i32, i32) {
    %c0_i32 = arith.constant 0 : i32
    %c0_i32_0 = arith.constant 0 : i32
    %c0_i32_1 = arith.constant 0 : i32
    return %c0_i32, %c0_i32_0 : i32, i32
  }
  func.func @transform_3(%arg0: i32) -> (i32, i32) {
    %c0_i32 = arith.constant 0 : i32
    %c0_i32_0 = arith.constant 0 : i32
    return %arg0, %c0_i32 : i32, i32
  }
}

</mosaic_0001>

<sc_bundles>
// kernel: kernel.5.cloned.1.call-start
scs
__scs_entry_jumppad:
0x0: {  	(pc) =	sbr.rel $0x88, $3  }
0x1: {  	(tag) =	ssettag $0x0;
	lr =	simm.s32 $0x1  }
0x2: {  	[smem:$0x3F9C] =	sst lr;
	_ =	strace $0xD0000000  }
0x3: {  	_ = 	snop  }
0x4: {  	_ = 	snop  }
0x5: {  	_ = 	snop  }
0x6: {  	_ = 	snop  }
0x7: {  	_ = 	snop  }
__scs_overlays_trampoline_lowered:
0x8: {  	[smem:$0x3FAB] =	sst s0  }
0x9: {  	[smem:$0x3FAC] =	sst s1  }
0xa: {  	[smem:$0x3FAD] =	sst s2  }
0xb: {  	[smem:$0x3FAE] =	sst s3  }
0xc: {  	[smem:$0x3FAF] =	sst s4  }
0xd: {  	[smem:$0x3FB0] =	sst s5  }
0xe: {  	[smem:$0x3FB1] =	sst s6  }
0xf: {  	[smem:$0x3FB2] =	sst s7  }
0x10: {  	[smem:$0x3FB3] =	sst s8  }
0x11: {  	[smem:$0x3FB4] =	sst s9;
	s0 =	simm.s32 @!p0 $0x0  }
0x12: {  	s1 =	sld [smem:$0x3F9A];
	s0 =	simm.s32 @p0 $0x1  }
0x13: {  	[smem:$0x3FB5] =	sst s0;
	s0 =	simm.s32 @!p1 $0x0  }
0x14: {  	s2 =	sld [smem:$0x3F99];
	s0 =	simm.s32 @p1 $0x1  }
0x15: {  	[smem:$0x3FB6] =	sst s0;
	s0 =	simm.s32 @!p2 $0x0  }
0x16: {  	s3 =	sld [smem:$0x3FDB];
	s0 =	simm.s32 @p2 $0x1  }
0x17: {  	s4 =	simm.s32 $0x1BF5;
	[smem:$0x3FB8] =	sst s0  }
0x18: {  	s0 =	sld [smem:$0x3F9B];
	_ =	swait.ge [sflag:s4], $0x0  }
0x19: {  	s7 =	sld [smem:$0x3F9C]  }
0x1a: {  	s8 =	sadd.s32 $0xFFFFE003, lr  }
0x1b: {  	s9 =	sadd.s32 $0xFFFFFEF7, lr;
	s5 =	simm.s32 $0xFFFFFFFF;
	p2 =	slt.u32 s8, $0xFFFFF086  }
0x1c: {  	p1 =	slt.u32 s9, $0xF7A;
	s5 =	simm.s32 @!p2 $0x0  }
0x1d: {  	s5 =	simm.s32 @p1 $0x1;
	p0 =	seq.s32 s7, s2  }
0x1e: {  	s7 =	smul.u32 @!p0 $0xF7A, s2;
	p2 =	seq.s32 @!p0 s5, $0x0  }
0x1f: {  	s9 =	smul.u32 $0xF7A, s1;
	s8 =	simm.s32 @!p0 $0x1BF5;
	p2 =	por !p2, p0  }
0x20: {  	[sflag:s8] =	ssyncset.s32 @!p0 $0xFFFFF086;
	s6 =	sadd.s32 @!p0 s3, s7;
	s7 =	simm.s32 @!p0 $0x108  }
0x21: {  	s3 =	sadd.s32 s3, s9;
	s6 =	sadd.s32 @!p0 $0x88, s6;
	s7 =	simm.s32 @p2 $0x1082  }
0x22: {  	[simem:s7], [sflag:s8] =	dma.local @!p0 [hbm:s6], $0xF7A  }
0x23: {  	s9 =	sor.u32 $0xD0000000, s2;
	s6 =	simm.s32 $0x108;
	_ =	swait.ge @!p0 [sflag:s8], $0x0  }
0x24: {  	s3 =	sadd.s32 $0x88, s3;
	s6 =	simm.s32 @!p1 $0x1082;
	[sflag:s4] =	ssyncset.s32 $0xFFFFF086  }
0x25: {  	[simem:s6], [sflag:s4] =	dma.local [hbm:s3], $0xF7A  }
0x26: {  	[smem:$0x3F9C] =	sst s1;
	(tag) =	ssettag s2;
	_ =	strace s9  }
0x27: {  	s1 =	sld [smem:$0x3FAC]  }
0x28: {  	s2 =	sld [smem:$0x3FAD]  }
0x29: {  	s4 =	sld [smem:$0x3FAF]  }
0x2a: {  	p0 =	seq.s32 s5, $0x0;
	s5 =	sld [smem:$0x3FB0]  }
0x2b: {  	s6 =	sld [smem:$0x3FB1]  }
0x2c: {  	s7 =	sld [smem:$0x3FB2]  }
0x2d: {  	s3 =	simm.s32 $0x108;
	s8 =	sld [smem:$0x3FB3]  }
0x2e: {  	s3 =	simm.s32 @!p0 $0x1082;
	s9 =	sld [smem:$0x3FB4]  }
0x2f: {  	lr =	sadd.s32 s0, s3;
	s0 =	sld [smem:$0x3FAB]  }
0x30: {  	s3 =	sld [smem:$0x3FAE]  }
0x31: {  	[smem:$0x3FB7] =	sst s10  }
0x32: {  	s10 =	sld [smem:$0x3FB5];
	_ =	sdelay $0x3  }
0x33: {  	p0 =	seq.s32 s10, $0x1;
	s10 =	sld [smem:$0x3FB7];
	_ =	sdelay $0x3  }
0x34: {  	[smem:$0x3FB7] =	sst s10  }
0x35: {  	s10 =	sld [smem:$0x3FB6];
	_ =	sdelay $0x3  }
0x36: {  	p1 =	seq.s32 s10, $0x1;
	s10 =	sld [smem:$0x3FB7];
	_ =	sdelay $0x3  }
0x37: {  	[smem:$0x3FB7] =	sst s10  }
0x38: {  	s10 =	sld [smem:$0x3FB8]  }
0x39: {  	_ = 	snop;
	(pc) =	sbr.ind lr, $3  }
0x3a: {  	_ = 	snop  }
0x3b: {  	_ = 	snop  }
0x3c: {  	p2 =	seq.s32 s10, $0x1;
	s10 =	sld [smem:$0x3FB7]  }
0x3d: {  	_ =	shalt  }
0x3e: {  	_ =	shalt  }
0x3f: {  	_ =	shalt  }
0x40: {  	_ =	shalt  }
0x41: {  	_ =	shalt  }
0x42: {  	_ =	shalt  }
0x43: {  	_ =	shalt  }
0x44: {  	_ =	shalt  }
0x45: {  	_ =	shalt  }
0x46: {  	_ =	shalt  }
0x47: {  	_ =	shalt  }
0x48: {  	_ =	shalt  }
0x49: {  	_ =	shalt  }
0x4a: {  	_ =	shalt  }
0x4b: {  	_ =	shalt  }
0x4c: {  	_ =	shalt  }
0x4d: {  	_ =	shalt  }
0x4e: {  	_ =	shalt  }
0x4f: {  	_ =	shalt  }
0x50: {  	_ =	shalt  }
0x51: {  	_ =	shalt  }
0x52: {  	_ =	shalt  }
0x53: {  	_ =	shalt  }
0x54: {  	_ =	shalt  }
0x55: {  	_ =	shalt  }
0x56: {  	_ =	shalt  }
0x57: {  	_ =	shalt  }
0x58: {  	_ =	shalt  }
0x59: {  	_ =	shalt  }
0x5a: {  	_ =	shalt  }
0x5b: {  	_ =	shalt  }
0x5c: {  	_ =	shalt  }
0x5d: {  	_ =	shalt  }
0x5e: {  	_ =	shalt  }
0x5f: {  	_ =	shalt  }
0x60: {  	_ =	shalt  }
0x61: {  	_ =	shalt  }
0x62: {  	_ =	shalt  }
0x63: {  	_ =	shalt  }
0x64: {  	_ =	shalt  }
0x65: {  	_ =	shalt  }
0x66: {  	_ =	shalt  }
0x67: {  	_ =	shalt  }
0x68: {  	_ =	shalt  }
0x69: {  	_ =	shalt  }
0x6a: {  	_ =	shalt  }
0x6b: {  	_ =	shalt  }
0x6c: {  	_ =	shalt  }
0x6d: {  	_ =	shalt  }
0x6e: {  	_ =	shalt  }
0x6f: {  	_ =	shalt  }
0x70: {  	_ =	shalt  }
0x71: {  	_ =	shalt  }
0x72: {  	_ =	shalt  }
0x73: {  	_ =	shalt  }
0x74: {  	_ =	shalt  }
0x75: {  	_ =	shalt  }
0x76: {  	_ =	shalt  }
0x77: {  	_ =	shalt  }
0x78: {  	_ =	shalt  }
0x79: {  	_ =	shalt  }
0x7a: {  	_ =	shalt  }
0x7b: {  	_ =	shalt  }
0x7c: {  	_ =	shalt  }
0x7d: {  	_ =	shalt  }
0x7e: {  	_ =	shalt  }
0x7f: {  	_ =	shalt  }
0x80: {  	_ =	shalt  }
0x81: {  	_ =	shalt  }
0x82: {  	_ =	shalt  }
0x83: {  	_ =	shalt  }
0x84: {  	_ =	shalt  }
0x85: {  	_ =	shalt  }
0x86: {  	_ =	shalt  }
0x87: {  	_ =	shalt  }
.Lfunc_end0:
.L_simem_size_0:
called_computation_lowered:
.L_overlay_start_0:
0x88: {  	s2 =	sld [smem:$0x3FD9]  }
0x89: {  	s3 =	sld [smem:$0x3FFE];
	_ =	sdelay $0x1  }
0x8a: {  	s1 =	srdreg.scid  }
0x8b: {  	s0 =	sand.u32 $0x1, s1  }
0x8c: {  	s17 =	sshll.u32 s0, $0xA;
	s2 =	sadd.s32 s3, s2  }
0x8d: {  	s2 =	sadd.s32 s2, s17  }
0x8e: {  	[smem:$0x3FC3] =	sst s2  }
0x8f: {  	_ = 	snop  }
0x90: {  	s2 =	sld [smem:$0x3FD0];
	(tm) =	ssettm $0x1  }
0x91: {  	s18 =	sld [smem:$0x3FFB];
	_ =	sdelay $0x3  }
0x92: {  	_ =	strace s18  }
0x93: {  	s3 =	sld [smem:$0x3FFC];
	_ =	sdelay $0x3  }
0x94: {  	_ =	strace s3  }
0x95: {  	s3 =	sld [smem:$0x3FFD];
	_ =	sdelay $0x3  }
0x96: {  	_ =	strace s3  }
0x97: {  	_ =	strace $0x8FFFFFFF  }
0x98: {  	s19 =	sld [smem:$0x3FDB];
	_ =	sdelay $0x1  }
0x99: {  	s4 =	simm.s32 $_scs_section_size  }
0x9a: {  	s5 =	simm.s32 $_size__tile_overlayer_lowered;
	s6 =	simm.s32 $_tile_overlayer_lowered  }
0x9b: {  	s22 =	simm.s32 $0x1BFF;
	s21 =	sshll.u32 s6, $0x1;
	s3 =	sadd.s32 s4, s19  }
0x9c: {  	s7 =	simm.s32 $0x0;
	s20 =	sshll.u32 s5, $0x1;
	s5 =	sadd.s32 s21, s3  }
0x9d: {  	[timem:s7], [sflag:s22] =	dma.local [hbm:s5], s20  }
0x9e: {  	_ =	swait.ge [sflag:s22], s20  }
0x9f: {  	s4 =	ssub.s32 $0x0, s20;
	[sflag:s22] =	ssyncset.done $0x0  }
0xa0: {  	[sflag:s22] =	ssyncadd.s32 s4;
	_ =	sdelay $0x1  }
0xa1: {  	s23 =	simm.s32 $0x1B8B  }
0xa2: {  	_ =	swait.ge [sflag:s23], $0x1  }
0xa3: {  	[sflag:s23] =	ssyncset.done $0x0  }
0xa4: {  	s25 =	simm.s32 $0x1B8E;
	s24 =	sld [smem:$0x3FFE];
	[sflag:s23] =	ssyncadd.s32 $0xFFFFFFFF  }
0xa5: {  	s26 =	simm.s32 $execute0_lowered;
	[smem:$0x3FD2] =	sst s25  }
0xa6: {  	s5 =	sshll.u32 s26, $0x1;
	_ =	strace $0x80000046;
	[dreg:$0x1] =	wrdreg $0xFFFFFFFF  }
0xa7: {  	s28 =	simm.s32 $_size_execute0_lowered;
	s3 =	sadd.s32 s3, s5;
	[dreg:$0x0] =	wrdreg $0x0  }
0xa8: {  	s5 =	sshll.u32 s28, $0x1;
	[dreg:$0x2] =	wrdreg s3  }
0xa9: {  	[dreg:$0x3] =	wrdreg s5  }
0xaa: {  	[dreg:$0x4] =	wrdreg $0xC0  }
0xab: {  	_ =	task [dreg:s7], $0x5FFFF  }
0xac: {  	[dreg:$0x1] =	wrdreg $0xFFFFFFFF  }
0xad: {  	[dreg:$0x0] =	wrdreg $0x60  }
0xae: {  	[dreg:$0x2] =	wrdreg s24  }
0xaf: {  	[dreg:$0x3] =	wrdreg s2  }
0xb0: {  	[dreg:$0x4] =	wrdreg $0x158A00  }
0xb1: {  	[dreg:$0x5] =	wrdreg $0x9  }
0xb2: {  	_ =	task.clear_ibuf [dreg:s7], $0x6FFFF;
	_ =	strace $0x90000046  }
0xb3: {  	s29 =	simm.s32 $0x9;
	_ =	strace $0x80000048  }
0xb4: {  	_ =	swait.ge [sflag:s29], $0x1  }
0xb5: {  	[sflag:s29] =	ssyncadd.s32 $0xFFFFFFFF  }
0xb6: {  	_ =	strace $0x90000048  }
0xb7: {  	_ =	sfence  }
0xb8: {  	s30 =	sld [smem:$0x0];
	_ =	sdelay $0x2  }
0xb9: {  	s31 =	sshll.u32 s1, $0xD;
	s1 =	sshrl.u32 s1, $0x2  }
0xba: {  	s3 =	sand.u32 $0x4000, s31;
	s1 =	sadd.s32 s1, s30  }
0xbb: {  	s0 =	sor.u32 s3, s0;
	s1 =	sshll.u32 s1, $0x11  }
0xbc: {  	s0 =	sor.u32 s1, s0  }
0xbd: {  	s0 =	sadd.s32 $0x8F2B, s0  }
0xbe: {  	[sflag:s0] =	ssyncadd.remote.s32 $0x1  }
0xbf: {  	_ =	sfence.sel $0xFFFF  }
0xc0: {  	[dreg:$0x0] =	wrdreg $0xFFFFFFFF;
	(pc) =	sbr.abs _section_cstart, $3  }
0xc1: {  	[dreg:$0x1] =	wrdreg $0xFFFFFFFF  }
0xc2: {  	_ =	task.clear_ibuf [dreg:s7], $0x2FFFF;
	_ =	strace $0x9FFFFFFF  }
0xc3: {  	(tm) =	ssettm $0x7FFFFFFF  }
tec
execute0_lowered:
.L_overlay_start_1:
0x0: {  	(tag) =	ssettag $0x1  }
0x1: {  	s0 =	rddreg [dreg:$0x0]  }
0x2: {  	s1 =	srdreg.scid;
	s4 =	rddreg [dreg:$0x1]  }
0x3: {  	s3 =	stileid.u32;
	s2 =	rddreg [dreg:$0x2];
	s8 =	simm.s32 $0x0  }
0x4: {  	s13 =	simm.s32 $0x7;
	s16 =	simm.s32 $0x60;
	s19 =	simm.s32 $0x1  }
0x5: {  	s20 =	simm.s32 $0x104A0;
	s28 =	simm.s32 $0x140A0;
	s6 =	smul.u32 $0x4EC0, s3  }
0x6: {  	s30 =	simm.s32 $0x0;
	s1 =	sand.u32 $0x1, s1;
	s7 =	smul.u32 $0xA000, s3  }
0x7: {  	[smem:$0x7FF] =	sst s8;
	s11 =	sadd.s32 $0x1EA00, s0;
	s5 =	smul.u32 $0x9C40, s1  }
0x8: {  	s25 =	sshll.u32 s3, $0x6;
	s21 =	smul.u32 $0xA0000, s1;
	_ =	strace $0x80000047  }
0x9: {  	s1 =	ssub.s32 $0x2, s1;
	[dreg:$0x4] =	wrdreg s11;
	s22 =	sshrl.u32 s6, $0x3  }
0xa: {  	s10 =	sshrl.u32 s1, $0x1;
	s9 =	sadd.s32 s5, s0;
	s23 =	sadd.s32 s7, s21  }
0xb: {  	s24 =	sadd.s32 s22, s0;
	s1 =	ssub.s32 s1, s10;
	s7 =	sadd.s32 s7, s2  }
0xc: {  	s26 =	sadd.s32 s4, s22;
	s21 =	simm.s32 $0x110A0;
	s22 =	simm.s32 $0x2  }
0xd: {  	s6 =	sshrl.u32 s23, $0x3;
	[dreg:$0x5] =	wrdreg s26;
	s3 =	sadd.s32 $0x9D80, s26  }
0xe: {  	s29 =	sadd.s32 $0x14C00, s24;
	s9 =	sadd.s32 $0x1200, s9;
	s31 =	smax.u32 s1, $0x1  }
0xf: {  	s12 =	sshrl.u32 s7, $0x3;
	s23 =	simm.s32 $0x4;
	[dreg:$0x6] =	wrdreg s3  }
0x10: {  	s24 =	simm.s32 $0x128A0;
	s0 =	sadd.s32 s6, s0;
	[dreg:$0x7] =	wrdreg s29  }
0x11: {  	s26 =	simm.s32 $0x5;
	[dreg:$0x9] =	wrdreg s31;
	s0 =	sadd.s32 $0x1FE00, s0  }
0x12: {  	s6 =	sor.u32 $0x1C07, s25;
	s25 =	simm.s32 $0x3;
	[dreg:$0x8] =	wrdreg s0  }
.LBB2_1:
0x13: {  	s0 =	rddreg [dreg:$0x4]  }
0x14: {  	[spmem:s12], [sflag:s6] =	dma.local [hbm:s0], $0x1400  }
0x15: {  	_ =	swait.ge [sflag:s13], $0x1400  }
0x16: {  	[sflag:s13] =	ssyncset.done $0x0  }
0x17: {  	s11 =	simm.s32 $0x0;
	s1 =	rddreg [dreg:$0x6];
	[sflag:s13] =	ssyncadd.s32 $0xFFFFEC00  }
0x18: {  	[tilespmem:s11], [sflag:$0x7] =	stream.linear.gather [hbm4b:s1+s11], $0x4EC0, $0x38;
	[tilespmem:$0x1F8A0] =	vst v63  }
0x19: {  	_ =	swait.ge [sflag:s13], $0x4EC0  }
0x1a: {  	[sflag:s13] =	ssyncset.done $0x0  }
0x1b: {  	s3 =	simm.s32 $0x4EC0;
	s14 =	rddreg [dreg:$0x5];
	[sflag:s13] =	ssyncadd.s32 $0xFFFFB140  }
0x1c: {  	[tilespmem:s3], [sflag:$0x7] =	stream.linear.gather [hbm4b:s14+s11], $0x4EC0, $0x38;
	[tilespmem:$0x1F8A0] =	vst v63  }
0x1d: {  	_ =	swait.ge [sflag:s13], $0x4EC0  }
0x1e: {  	[sflag:s13] =	ssyncset.done $0x0  }
0x1f: {  	s17 =	simm.s32 $0x9D80;
	s15 =	rddreg [dreg:$0x7];
	[sflag:s13] =	ssyncadd.s32 $0xFFFFB140  }
0x20: {  	[tilespmem:s17], [sflag:$0x7] =	stream.linear.gather [hbm4b:s15+s11], $0x4EC0, $0x38;
	[tilespmem:$0x1F8A0] =	vst v63  }
0x21: {  	_ =	swait.ge [sflag:s13], $0x4EC0  }
0x22: {  	[sflag:s13] =	ssyncset.done $0x0  }
0x23: {  	[sflag:s13] =	ssyncadd.s32 $0xFFFFB140  }
0x24: {  	s18 =	simm.s32 $0xECA0;
	[bflag:$0x0] =	sbarrier.arrive $0xFFFF  }
0x25: {  	[tilespmem:s18], [sflag:$0x1] =	stream.indirect.gather [hbm4b:s9+s16], $0x20, s11, s16, $0xb8;
	[tilespmem:$0x1F8A0] =	vst v63  }
0x26: {  	s29 =	simm.s32 $0xF8A0;
	s31 =	simm.s32 $0x0  }
0x27: {  	[tilespmem:s29], [sflag:$0x2] =	stream.indirect.gather [hbm4b:s9+s16], $0x20, s16, s16, $0xb8;
	[tilespmem:$0x1F8A0] =	vst v63  }
.LBB2_2:
0x28: {  	_ =	swait.ge [sflag:s19], $0xC00;
	s0 =	smul.u32 $0x120, s31;
	s4 =	simm.s32 $0x0  }
0x29: {  	[sflag:s19] =	ssyncset.done $0x0;
	s29 =	sand.u32 $0x78, s4  }
0x2a: {  	[sflag:s19] =	ssyncadd.s32 $0xFFFFF400;
	s1 =	sadd.s32 $0xC0, s0;
	s14 =	sadd.s32 $0x9D80, s0  }
0x2b: {  	[tilespmem:s20], [sflag:$0x3] =	stream.indirect.gather [hbm4b:s9+s16], $0x20, s1, s16, $0xb8;
	[tilespmem:$0x1F8A0] =	vst v63  }
0x2c: {  	s7 =	simm.s32 $0xECE0;
	s4 =	sand.u32 $0x4, s4;
	s8 =	sadd.s32 s29, s14  }
0x2d: {  	v1 =	vld [tilespmem:s7+$0xFFFFFFC0];
	s0 =	sadd.s32 s4, s8  }
0x2e: {  	s3 =	simm.s32 $0x1;
	v0 =	vld.msk [tilespmem:s0+$0x0 ss:$0x0], $0xffff  }
0x2f: {  	s4 =	sand.u32 $0x5, s3;
	v2 =	vld [tilespmem:s7+$0xFFFFFFE0]  }
0x30: {  	s5 =	simm.s32 $0x2;
	v4 =	vld [tilespmem:s7+$0x20];
	s0 =	sadd.s32 s4, s8  }
0x31: {  	s15 =	sand.u32 $0x6, s5;
	v6 =	vld.msk [tilespmem:s0+$0x0 ss:$0x0], $0xffff  }
0x32: {  	v5 =	vld [tilespmem:s7+$0x0];
	s15 =	sadd.s32 s15, s8;
	v3 =	vunpack.i.l.bf16.f32 v1;
	v1 =	vunpack.i.u.bf16.f32 v1  }
0x33: {  	s10 =	simm.s32 $0xFFFFFFFB;
	v7 =	vmul.f32 v1, v0;
	v1 =	vld.msk [tilespmem:s15+$0x0 ss:$0x0], $0xffff;
	s15 =	simm.s32 $0xED60  }
0x34: {  	s4 =	sand.u32 $0x7, s10;
	v3 =	vmul.f32 v3, v0;
	v12 =	vld [tilespmem:s15+$0xFFFFFFC0]  }
0x35: {  	s0 =	simm.s32 $0x11120;
	s4 =	sadd.s32 s4, s8;
	v8 =	vunpack.i.l.bf16.f32 v2;
	v2 =	vunpack.i.u.bf16.f32 v2;
	v14 =	vld [tilespmem:s15+$0x0]  }
0x36: {  	v2 =	vmul.f32 v2, v6;
	[tilespmem:s0+$0xFFFFFF80] =	vst v3;
	v3 =	vld.msk [tilespmem:s4+$0x0 ss:$0x0], $0xffff;
	s4 =	simm.s32 $0x4  }
0x37: {  	v15 =	vld [tilespmem:s15+$0xFFFFFFE0];
	[tilespmem:s0+$0xFFFFFF90] =	vst v7;
	v7 =	vmul.f32 v8, v6;
	s11 =	sand.u32 $0x78, s4  }
0x38: {  	v11 =	vld [tilespmem:s7+$0xFFFFFFD0];
	[tilespmem:s0+$0xFFFFFFD0] =	vst v2;
	v2 =	vunpack.i.l.bf16.f32 v5;
	s17 =	sand.u32 $0x4, s4;
	s8 =	sadd.s32 s11, s14  }
0x39: {  	s10 =	simm.s32 $0x5;
	v5 =	vunpack.i.u.bf16.f32 v5;
	[tilespmem:s0+$0xFFFFFFC0] =	vst v7;
	v7 =	vld [tilespmem:s15+$0x20];
	v9 =	vmul.f32 v2, v1;
	s17 =	sadd.s32 s17, s8  }
0x3a: {  	s18 =	simm.s32 $0x6;
	s10 =	sand.u32 $0x5, s10;
	v8 =	vunpack.i.u.bf16.f32 v4;
	v10 =	vmul.f32 v5, v1;
	v2 =	vld.msk [tilespmem:s17+$0x0 ss:$0x0], $0xffff  }
0x3b: {  	s18 =	sand.u32 $0x6, s18;
	v4 =	vunpack.i.l.bf16.f32 v4;
	v13 =	vld [tilespmem:s7+$0xFFFFFFF0];
	s10 =	sadd.s32 s10, s8;
	v8 =	vmul.f32 v8, v3;
	[tilespmem:s0+$0x0] =	vst v9  }
0x3c: {  	s18 =	sadd.s32 s18, s8;
	v5 =	vld.msk [tilespmem:s10+$0x0 ss:$0x0], $0xffff;
	v9 =	vmul.f32 v4, v3;
	[tilespmem:s0+$0x10] =	vst v10  }
0x3d: {  	v4 =	vld.msk [tilespmem:s18+$0x0 ss:$0x0], $0xffff;
	[tilespmem:s0+$0x50] =	vst v8  }
0x3e: {  	s29 =	simm.s32 $0xFFFFFFFF;
	v8 =	vunpack.i.u.bf16.f32 v7;
	[tilespmem:s0+$0x40] =	vst v9;
	v10 =	vunpack.i.l.bf16.f32 v7;
	v9 =	vld [tilespmem:s7+$0x10];
	v7 =	vunpack.i.u.bf16.f32 v12  }
0x3f: {  	v17 =	vunpack.i.l.bf16.f32 v12;
	v18 =	vld [tilespmem:s7+$0x30];
	s7 =	sand.u32 $0x7, s29;
	v7 =	vmul.f32 v7, v2  }
0x40: {  	v19 =	vunpack.i.u.bf16.f32 v14;
	s17 =	simm.s32 $0x11220;
	v16 =	vunpack.i.l.bf16.f32 v13;
	v12 =	vmul.f32 v17, v2;
	s7 =	sadd.s32 s7, s8  }
0x41: {  	v14 =	vunpack.i.l.bf16.f32 v14;
	v13 =	vunpack.i.u.bf16.f32 v13;
	v16 =	vmul.f32 v16, v6;
	[tilespmem:s17+$0xFFFFFF90] =	vst v7;
	v7 =	vld.msk [tilespmem:s7+$0x0 ss:$0x0], $0xffff  }
0x42: {  	v6 =	vmul.f32 v13, v6;
	[tilespmem:s17+$0xFFFFFF80] =	vst v12;
	v12 =	vunpack.i.u.bf16.f32 v15;
	v15 =	vunpack.i.l.bf16.f32 v15  }
0x43: {  	v13 =	vunpack.i.u.bf16.f32 v11;
	v17 =	vmul.f32 v14, v4;
	[tilespmem:s0+$0xFFFFFFE0] =	vst v16;
	v16 =	vmul.f32 v15, v5  }
0x44: {  	v11 =	vunpack.i.l.bf16.f32 v11;
	v14 =	vmul.f32 v19, v4;
	[tilespmem:s0+$0xFFFFFFF0] =	vst v6;
	v15 =	vmul.f32 v12, v5  }
0x45: {  	s7 =	simm.s32 $0xEDE0;
	v6 =	vld [tilespmem:s15+$0xFFFFFFD0];
	v12 =	vunpack.i.u.bf16.f32 v18;
	v18 =	vunpack.i.l.bf16.f32 v18;
	[tilespmem:s17+$0xFFFFFFC0] =	vst v16;
	v16 =	vunpack.i.l.bf16.f32 v9  }
.LBB2_3:
0x46: {  	v19 =	vld [tilespmem:s7+$0x20];
	[tilespmem:s17+$0x0] =	vst v17;
	v10 =	vmul.f32 v10, v7;
	v9 =	vunpack.i.u.bf16.f32 v9;
	v17 =	vmul.f32 v18, v3;
	s8 =	smov.u32 s4;
	s4 =	sadd.s32 $0x4, s4  }
0x47: {  	v13 =	vmul.f32 v13, v0;
	s10 =	sand.u32 $0x78, s4;
	s18 =	sand.u32 $0x4, s4;
	v18 =	vld [tilespmem:s7+$0xFFFFFFC0];
	s11 =	sadd.s32 $0xFFFFFFFF, s8;
	[tilespmem:s17+$0xFFFFFFD0] =	vst v15;
	v15 =	vmul.f32 v8, v7  }
0x48: {  	v16 =	vmul.f32 v16, v1;
	s5 =	sadd.s32 $0x6, s8;
	v8 =	vmul.f32 v9, v1;
	v1 =	vmov v4;
	s10 =	sadd.s32 s10, s14;
	s11 =	sand.u32 $0x7, s11;
	v20 =	vld [tilespmem:s15+$0xFFFFFFF0];
	[tilespmem:s0+$0x60] =	vst v17  }
0x49: {  	v11 =	vmul.f32 v11, v0;
	v0 =	vmovc v2;
	s8 =	sadd.s32 $0x5, s8;
	v9 =	vmul.f32 v12, v3;
	v3 =	vmov v7;
	s5 =	sand.u32 $0x6, s5;
	s18 =	sadd.s32 s18, s10;
	v17 =	vld [tilespmem:s7+$0x0];
	[tilespmem:s17+$0x10] =	vst v14  }
0x4a: {  	s8 =	sand.u32 $0x5, s8;
	s5 =	sadd.s32 s5, s10;
	s11 =	sadd.s32 s11, s10;
	v2 =	vld.msk [tilespmem:s18+$0x0 ss:$0x0], $0xffff;
	[tilespmem:s0+$0x30] =	vst v8  }
0x4b: {  	p0 =	slt.u32 s4, $0x5C;
	s8 =	sadd.s32 s8, s10;
	v4 =	vld.msk [tilespmem:s5+$0x0 ss:$0x0], $0xffff;
	v8 =	vunpack.i.u.bf16.f32 v19;
	[tilespmem:s0+$0x70] =	vst v9  }
0x4c: {  	v12 =	vld.msk [tilespmem:s8+$0x0 ss:$0x0], $0xffff;
	[tilespmem:s0+$0xFFFFFFB0] =	vst v13  }
0x4d: {  	v13 =	vld [tilespmem:s7+$0xFFFFFFE0];
	v7 =	vunpack.i.l.bf16.f32 v20;
	[tilespmem:s17+$0x50] =	vst v15  }
0x4e: {  	v14 =	vunpack.i.l.bf16.f32 v18;
	v15 =	vmul.f32 v7, v5;
	v9 =	vld [tilespmem:s15+$0x10];
	[tilespmem:s17+$0x40] =	vst v10  }
0x4f: {  	v10 =	vunpack.i.l.bf16.f32 v19;
	v19 =	vld [tilespmem:s15+$0x30];
	[tilespmem:s0+$0x20] =	vst v16;
	s15 =	smov.u32 s7  }
0x50: {  	v16 =	vunpack.i.u.bf16.f32 v18;
	v14 =	vmul.f32 v14, v2;
	v18 =	vunpack.i.u.bf16.f32 v17;
	v7 =	vld.msk [tilespmem:s11+$0x0 ss:$0x0], $0xffff;
	[tilespmem:s0+$0xFFFFFFA0] =	vst v11;
	s0 =	smov.u32 s17  }
.Ltmp0:
0x51: {  	v11 =	vmul.f32 v16, v2;
	v16 =	vunpack.i.l.bf16.f32 v17;
	v17 =	vunpack.i.u.bf16.f32 v20;
	s17 =	sadd.s32 $0x100, s17;
	[tilespmem:s0+$0xFFFFFFE0] =	vst v15;
	(pc) =	sbr.rel @p0 .LBB2_3-.Ltmp0, $4  }
0x52: {  	v20 =	vmul.f32 v17, v5;
	v5 =	vmovc v12;
	[tilespmem:s17+$0xFFFFFF80] =	vst v14;
	v14 =	vunpack.i.u.bf16.f32 v13;
	v13 =	vunpack.i.l.bf16.f32 v13  }
0x53: {  	[tilespmem:s17+$0xFFFFFF90] =	vst v11;
	v21 =	vmul.f32 v13, v5;
	v15 =	vmul.f32 v14, v5;
	v13 =	vunpack.i.u.bf16.f32 v6  }
0x54: {  	v17 =	vmul.f32 v16, v4;
	v11 =	vunpack.i.l.bf16.f32 v6;
	[tilespmem:s0+$0xFFFFFFF0] =	vst v20;
	v12 =	vunpack.i.u.bf16.f32 v19  }
0x55: {  	s7 =	sadd.s32 $0x80, s7;
	v14 =	vmul.f32 v18, v4;
	v16 =	vunpack.i.l.bf16.f32 v9;
	v18 =	vunpack.i.l.bf16.f32 v19;
	v6 =	vld [tilespmem:s15+$0xFFFFFFD0];
	[tilespmem:s17+$0xFFFFFFC0] =	vst v21  }
0x56: {  	[tilespmem:s17+$0x0] =	vst v17  }
0x57: {  	v17 =	vmul.f32 v18, v3;
	[tilespmem:s17+$0xFFFFFFD0] =	vst v15  }
0x58: {  	v8 =	vmul.f32 v8, v7;
	[tilespmem:s17+$0x10] =	vst v14  }
0x59: {  	v10 =	vmul.f32 v10, v7;
	v15 =	vld [tilespmem:s15+$0xFFFFFFF0];
	[tilespmem:s0+$0x60] =	vst v17  }
0x5a: {  	v9 =	vunpack.i.u.bf16.f32 v9;
	v3 =	vmul.f32 v12, v3;
	[tilespmem:s17+$0x50] =	vst v8  }
0x5b: {  	v8 =	vmul.f32 v9, v1;
	[tilespmem:s17+$0x40] =	vst v10  }
0x5c: {  	v10 =	vmul.f32 v13, v0;
	[tilespmem:s0+$0x70] =	vst v3;
	v9 =	vld [tilespmem:s15+$0x30]  }
0x5d: {  	v1 =	vmul.f32 v16, v1;
	[tilespmem:s0+$0x30] =	vst v8;
	v8 =	vld [tilespmem:s15+$0x10]  }
0x5e: {  	v0 =	vmul.f32 v11, v0;
	[tilespmem:s0+$0xFFFFFFB0] =	vst v10;
	v3 =	vunpack.i.l.bf16.f32 v15  }
0x5f: {  	[tilespmem:s0+$0x20] =	vst v1;
	v1 =	vunpack.i.u.bf16.f32 v15;
	v3 =	vmul.f32 v3, v5  }
0x60: {  	[tilespmem:s0+$0xFFFFFFA0] =	vst v0;
	v0 =	vmul.f32 v1, v5;
	v5 =	vunpack.i.u.bf16.f32 v6  }
0x61: {  	v1 =	vunpack.i.l.bf16.f32 v9;
	v5 =	vmul.f32 v5, v2;
	[tilespmem:s17+$0xFFFFFFE0] =	vst v3  }
0x62: {  	v3 =	vunpack.i.u.bf16.f32 v8;
	v1 =	vmul.f32 v1, v7;
	[tilespmem:s17+$0xFFFFFFF0] =	vst v0  }
0x63: {  	v0 =	vunpack.i.u.bf16.f32 v9;
	v3 =	vmul.f32 v3, v4;
	[tilespmem:s17+$0xFFFFFFB0] =	vst v5  }
0x64: {  	v0 =	vmul.f32 v0, v7;
	[tilespmem:s17+$0x60] =	vst v1;
	v1 =	vunpack.i.l.bf16.f32 v8  }
0x65: {  	[tilespmem:s17+$0x30] =	vst v3;
	v3 =	vunpack.i.l.bf16.f32 v6;
	v1 =	vmul.f32 v1, v4  }
0x66: {  	[tilespmem:s17+$0x70] =	vst v0;
	v0 =	vmul.f32 v3, v2  }
0x67: {  	p0 =	seq.s32 s31, $0x0;
	[tilespmem:s17+$0x20] =	vst v1  }
0x68: {  	s4 =	smul.u32 $0x480, s31;
	s0 =	simm.s32 @!p0 $0x6;
	[tilespmem:s17+$0xFFFFFFA0] =	vst v0  }
0x69: {  	_ =	swait.ge @!p0 [sflag:s0], $0x1800  }
0x6a: {  	s10 =	simm.s32 $0x0;
	s5 =	sshra.s32 s4, $0x2;
	[sflag:s0] =	ssyncset.done @!p0 $0x0  }
0x6b: {  	s8 =	sadd.s32 $0x4EC0, s5;
	[sflag:s0] =	ssyncadd.s32 @!p0 $0xFFFFE800;
	p0 =	seq.s32 s31, $0x45  }
0x6c: {  	[spmem:s2] =	stream.indirect.scatter.add.f32 [tilespmem:s21], [sflag:$0x4], $0x40, s8, s16, $0xb8;
	[tilespmem:$0x1F8A0] =	vst v63  }
0x6d: {  	s11 =	sand.u32 $0x78, s10;
	s0 =	sshra.s32 @!p0 s4, $0x2  }
0x6e: {  	s7 =	simm.s32 @!p0 $0x60;
	s4 =	sadd.s32 $0x180, s4;
	_ =	swait.ge [sflag:s22], $0xC00  }
0x6f: {  	s8 =	simm.s32 @!p0 $0xECA0;
	s14 =	sshra.s32 s4, $0x2;
	[sflag:s22] =	ssyncset.done $0x0  }
0x70: {  	s5 =	sadd.s32 @!p0 $0x120, s0;
	s17 =	sadd.s32 $0x9D80, s14;
	[sflag:s22] =	ssyncadd.s32 $0xFFFFF400  }
0x71: {  	[tilespmem:s8], [sflag:$0x1] =	stream.indirect.gather @!p0 [hbm4b:s9+s7], $0x20, s5, s7, $0xb8;
	[tilespmem:$0x1F8A0] =	vst v63  }
0x72: {  	s4 =	simm.s32 $0xF8E0;
	s5 =	sand.u32 $0x4, s10;
	s7 =	sadd.s32 s11, s17  }
0x73: {  	s15 =	simm.s32 $0x1;
	v1 =	vld [tilespmem:s4+$0xFFFFFFC0];
	s5 =	sadd.s32 s5, s7  }
0x74: {  	s18 =	sand.u32 $0x5, s15;
	v0 =	vld.msk [tilespmem:s5+$0x0 ss:$0x0], $0xffff  }
0x75: {  	v2 =	vld [tilespmem:s4+$0xFFFFFFE0];
	s5 =	sadd.s32 s18, s7  }
0x76: {  	v6 =	vld.msk [tilespmem:s5+$0x0 ss:$0x0], $0xffff  }
0x77: {  	s29 =	simm.s32 $0x2;
	v4 =	vld [tilespmem:s4+$0x20]  }
0x78: {  	s3 =	simm.s32 $0xFFFFFFFB;
	v5 =	vld [tilespmem:s4+$0x0];
	s18 =	simm.s32 $0xF960;
	s5 =	sand.u32 $0x6, s29;
	v3 =	vunpack.i.l.bf16.f32 v1  }
0x79: {  	s8 =	sand.u32 $0x7, s3;
	v12 =	vld [tilespmem:s18+$0xFFFFFFC0];
	s5 =	sadd.s32 s5, s7;
	v1 =	vunpack.i.u.bf16.f32 v1;
	v3 =	vmul.f32 v3, v0  }
0x7a: {  	s15 =	simm.s32 $0x12920;
	s7 =	sadd.s32 s8, s7;
	v8 =	vunpack.i.l.bf16.f32 v2;
	v2 =	vunpack.i.u.bf16.f32 v2;
	v7 =	vmul.f32 v1, v0;
	v1 =	vld.msk [tilespmem:s5+$0x0 ss:$0x0], $0xffff  }
0x7b: {  	v2 =	vmul.f32 v2, v6;
	[tilespmem:s15+$0xFFFFFF80] =	vst v3;
	v3 =	vld.msk [tilespmem:s7+$0x0 ss:$0x0], $0xffff;
	s7 =	simm.s32 $0x4  }
0x7c: {  	v14 =	vld [tilespmem:s18+$0x0];
	[tilespmem:s15+$0xFFFFFF90] =	vst v7;
	v7 =	vmul.f32 v8, v6;
	s10 =	sand.u32 $0x78, s7  }
0x7d: {  	v15 =	vld [tilespmem:s18+$0xFFFFFFE0];
	[tilespmem:s15+$0xFFFFFFD0] =	vst v2;
	s11 =	sand.u32 $0x4, s7;
	s5 =	sadd.s32 s10, s17  }
0x7e: {  	v2 =	vunpack.i.l.bf16.f32 v5;
	[tilespmem:s15+$0xFFFFFFC0] =	vst v7;
	v7 =	vld [tilespmem:s18+$0x20];
	s8 =	sadd.s32 s11, s5  }
0x7f: {  	v5 =	vunpack.i.u.bf16.f32 v5;
	s10 =	simm.s32 $0x6;
	v9 =	vmul.f32 v2, v1;
	v2 =	vld.msk [tilespmem:s8+$0x0 ss:$0x0], $0xffff  }
0x80: {  	v8 =	vunpack.i.u.bf16.f32 v4;
	v13 =	vld [tilespmem:s4+$0xFFFFFFF0];
	s10 =	sand.u32 $0x6, s10;
	s11 =	simm.s32 $0x5;
	v10 =	vmul.f32 v5, v1  }
0x81: {  	v4 =	vunpack.i.l.bf16.f32 v4;
	v11 =	vld [tilespmem:s4+$0xFFFFFFD0];
	s29 =	sadd.s32 s10, s5;
	s3 =	sand.u32 $0x5, s11;
	v8 =	vmul.f32 v8, v3;
	[tilespmem:s15+$0x0] =	vst v9  }
0x82: {  	v9 =	vmul.f32 v4, v3;
	v4 =	vld.msk [tilespmem:s29+$0x0 ss:$0x0], $0xffff;
	s11 =	sadd.s32 s3, s5;
	[tilespmem:s15+$0x10] =	vst v10  }
0x83: {  	s29 =	simm.s32 $0xFFFFFFFF;
	v5 =	vld.msk [tilespmem:s11+$0x0 ss:$0x0], $0xffff;
	[tilespmem:s15+$0x50] =	vst v8;
	v8 =	vunpack.i.u.bf16.f32 v7;
	v10 =	vunpack.i.l.bf16.f32 v7;
	v7 =	vunpack.i.u.bf16.f32 v12  }
0x84: {  	v17 =	vunpack.i.l.bf16.f32 v12;
	s8 =	sand.u32 $0x7, s29;
	[tilespmem:s15+$0x40] =	vst v9;
	v9 =	vld [tilespmem:s4+$0x10];
	v7 =	vmul.f32 v7, v2  }
0x85: {  	v19 =	vunpack.i.u.bf16.f32 v14;
	s5 =	sadd.s32 s8, s5;
	v16 =	vunpack.i.l.bf16.f32 v13;
	v18 =	vld [tilespmem:s4+$0x30];
	s4 =	simm.s32 $0x12A20;
	v12 =	vmul.f32 v17, v2  }
0x86: {  	v14 =	vunpack.i.l.bf16.f32 v14;
	v13 =	vunpack.i.u.bf16.f32 v13;
	v16 =	vmul.f32 v16, v6;
	[tilespmem:s4+$0xFFFFFF90] =	vst v7;
	v7 =	vld.msk [tilespmem:s5+$0x0 ss:$0x0], $0xffff  }
0x87: {  	v6 =	vmul.f32 v13, v6;
	[tilespmem:s4+$0xFFFFFF80] =	vst v12;
	v12 =	vunpack.i.u.bf16.f32 v15;
	v15 =	vunpack.i.l.bf16.f32 v15  }
0x88: {  	v13 =	vunpack.i.u.bf16.f32 v11;
	v17 =	vmul.f32 v14, v4;
	[tilespmem:s15+$0xFFFFFFE0] =	vst v16;
	v16 =	vmul.f32 v15, v5  }
0x89: {  	v11 =	vunpack.i.l.bf16.f32 v11;
	v14 =	vmul.f32 v19, v4;
	[tilespmem:s15+$0xFFFFFFF0] =	vst v6;
	v15 =	vmul.f32 v12, v5  }
0x8a: {  	s8 =	simm.s32 $0xF9E0;
	v6 =	vld [tilespmem:s18+$0xFFFFFFD0];
	v12 =	vunpack.i.u.bf16.f32 v18;
	v18 =	vunpack.i.l.bf16.f32 v18;
	[tilespmem:s4+$0xFFFFFFC0] =	vst v16;
	v16 =	vunpack.i.l.bf16.f32 v9  }
.LBB2_5:
0x8b: {  	v19 =	vld [tilespmem:s8+$0x20];
	[tilespmem:s4+$0x0] =	vst v17;
	v10 =	vmul.f32 v10, v7;
	v9 =	vunpack.i.u.bf16.f32 v9;
	v17 =	vmul.f32 v18, v3;
	s5 =	smov.u32 s7;
	s7 =	sadd.s32 $0x4, s7  }
0x8c: {  	v13 =	vmul.f32 v13, v0;
	s10 =	sand.u32 $0x78, s7;
	s11 =	sand.u32 $0x4, s7;
	v18 =	vld [tilespmem:s8+$0xFFFFFFC0];
	s29 =	sadd.s32 $0xFFFFFFFF, s5;
	[tilespmem:s4+$0xFFFFFFD0] =	vst v15;
	v15 =	vmul.f32 v8, v7  }
0x8d: {  	v16 =	vmul.f32 v16, v1;
	s3 =	sadd.s32 $0x6, s5;
	v8 =	vmul.f32 v9, v1;
	v1 =	vmov v4;
	s10 =	sadd.s32 s10, s17;
	s29 =	sand.u32 $0x7, s29;
	v20 =	vld [tilespmem:s18+$0xFFFFFFF0];
	[tilespmem:s15+$0x60] =	vst v17  }
0x8e: {  	v11 =	vmul.f32 v11, v0;
	v0 =	vmovc v2;
	s5 =	sadd.s32 $0x5, s5;
	v9 =	vmul.f32 v12, v3;
	v3 =	vmov v7;
	s3 =	sand.u32 $0x6, s3;
	s11 =	sadd.s32 s11, s10;
	v17 =	vld [tilespmem:s8+$0x0];
	[tilespmem:s4+$0x10] =	vst v14  }
0x8f: {  	s5 =	sand.u32 $0x5, s5;
	s3 =	sadd.s32 s3, s10;
	v2 =	vld.msk [tilespmem:s11+$0x0 ss:$0x0], $0xffff;
	s11 =	sadd.s32 s29, s10;
	[tilespmem:s15+$0x30] =	vst v8  }
0x90: {  	p1 =	slt.u32 s7, $0x5C;
	s5 =	sadd.s32 s5, s10;
	v4 =	vld.msk [tilespmem:s3+$0x0 ss:$0x0], $0xffff;
	v8 =	vunpack.i.u.bf16.f32 v19;
	[tilespmem:s15+$0x70] =	vst v9  }
0x91: {  	v12 =	vld.msk [tilespmem:s5+$0x0 ss:$0x0], $0xffff;
	[tilespmem:s15+$0xFFFFFFB0] =	vst v13  }
0x92: {  	v13 =	vld [tilespmem:s8+$0xFFFFFFE0];
	v7 =	vunpack.i.l.bf16.f32 v20;
	[tilespmem:s4+$0x50] =	vst v15  }
0x93: {  	v14 =	vunpack.i.l.bf16.f32 v18;
	v15 =	vmul.f32 v7, v5;
	v9 =	vld [tilespmem:s18+$0x10];
	[tilespmem:s4+$0x40] =	vst v10  }
0x94: {  	v10 =	vunpack.i.l.bf16.f32 v19;
	v19 =	vld [tilespmem:s18+$0x30];
	[tilespmem:s15+$0x20] =	vst v16;
	s18 =	smov.u32 s8  }
0x95: {  	v16 =	vunpack.i.u.bf16.f32 v18;
	v14 =	vmul.f32 v14, v2;
	v18 =	vunpack.i.u.bf16.f32 v17;
	v7 =	vld.msk [tilespmem:s11+$0x0 ss:$0x0], $0xffff;
	[tilespmem:s15+$0xFFFFFFA0] =	vst v11;
	s15 =	smov.u32 s4  }
.Ltmp1:
0x96: {  	v11 =	vmul.f32 v16, v2;
	v16 =	vunpack.i.l.bf16.f32 v17;
	v17 =	vunpack.i.u.bf16.f32 v20;
	s4 =	sadd.s32 $0x100, s4;
	[tilespmem:s15+$0xFFFFFFE0] =	vst v15;
	(pc) =	sbr.rel @p1 .LBB2_5-.Ltmp1, $4  }
0x97: {  	v20 =	vmul.f32 v17, v5;
	v5 =	vmovc v12;
	[tilespmem:s4+$0xFFFFFF80] =	vst v14;
	v14 =	vunpack.i.u.bf16.f32 v13;
	v13 =	vunpack.i.l.bf16.f32 v13  }
0x98: {  	[tilespmem:s4+$0xFFFFFF90] =	vst v11;
	v21 =	vmul.f32 v13, v5;
	v15 =	vmul.f32 v14, v5;
	v13 =	vunpack.i.u.bf16.f32 v6  }
0x99: {  	v17 =	vmul.f32 v16, v4;
	v11 =	vunpack.i.l.bf16.f32 v6;
	[tilespmem:s15+$0xFFFFFFF0] =	vst v20;
	v12 =	vunpack.i.u.bf16.f32 v19  }
0x9a: {  	s8 =	sadd.s32 $0x80, s8;
	v14 =	vmul.f32 v18, v4;
	v16 =	vunpack.i.l.bf16.f32 v9;
	v18 =	vunpack.i.l.bf16.f32 v19;
	v6 =	vld [tilespmem:s18+$0xFFFFFFD0];
	[tilespmem:s4+$0xFFFFFFC0] =	vst v21  }
0x9b: {  	[tilespmem:s4+$0x0] =	vst v17  }
0x9c: {  	v17 =	vmul.f32 v18, v3;
	[tilespmem:s4+$0xFFFFFFD0] =	vst v15  }
0x9d: {  	v8 =	vmul.f32 v8, v7;
	[tilespmem:s4+$0x10] =	vst v14  }
0x9e: {  	v10 =	vmul.f32 v10, v7;
	v15 =	vld [tilespmem:s18+$0xFFFFFFF0];
	[tilespmem:s15+$0x60] =	vst v17  }
0x9f: {  	v9 =	vunpack.i.u.bf16.f32 v9;
	v3 =	vmul.f32 v12, v3;
	[tilespmem:s4+$0x50] =	vst v8  }
0xa0: {  	v8 =	vmul.f32 v9, v1;
	[tilespmem:s4+$0x40] =	vst v10  }
0xa1: {  	v10 =	vmul.f32 v13, v0;
	[tilespmem:s15+$0x70] =	vst v3;
	v9 =	vld [tilespmem:s18+$0x30]  }
0xa2: {  	v1 =	vmul.f32 v16, v1;
	[tilespmem:s15+$0x30] =	vst v8;
	v8 =	vld [tilespmem:s18+$0x10]  }
0xa3: {  	v0 =	vmul.f32 v11, v0;
	[tilespmem:s15+$0xFFFFFFB0] =	vst v10;
	v3 =	vunpack.i.l.bf16.f32 v15  }
0xa4: {  	[tilespmem:s15+$0x20] =	vst v1;
	v1 =	vunpack.i.u.bf16.f32 v15;
	v3 =	vmul.f32 v3, v5  }
0xa5: {  	[tilespmem:s15+$0xFFFFFFA0] =	vst v0;
	v0 =	vmul.f32 v1, v5;
	v5 =	vunpack.i.u.bf16.f32 v6  }
0xa6: {  	v1 =	vunpack.i.l.bf16.f32 v9;
	v5 =	vmul.f32 v5, v2;
	[tilespmem:s4+$0xFFFFFFE0] =	vst v3  }
0xa7: {  	v3 =	vunpack.i.u.bf16.f32 v8;
	v1 =	vmul.f32 v1, v7;
	[tilespmem:s4+$0xFFFFFFF0] =	vst v0  }
0xa8: {  	v0 =	vunpack.i.u.bf16.f32 v9;
	v3 =	vmul.f32 v3, v4;
	[tilespmem:s4+$0xFFFFFFB0] =	vst v5  }
0xa9: {  	v0 =	vmul.f32 v0, v7;
	[tilespmem:s4+$0x60] =	vst v1;
	v1 =	vunpack.i.l.bf16.f32 v8  }
0xaa: {  	[tilespmem:s4+$0x30] =	vst v3;
	v3 =	vunpack.i.l.bf16.f32 v6;
	v1 =	vmul.f32 v1, v4  }
0xab: {  	[tilespmem:s4+$0x70] =	vst v0;
	v0 =	vmul.f32 v3, v2  }
0xac: {  	[tilespmem:s4+$0x20] =	vst v1  }
0xad: {  	[tilespmem:s4+$0xFFFFFFA0] =	vst v0  }
0xae: {  	_ =	swait.ge [sflag:s23], $0x1800  }
0xaf: {  	[sflag:s23] =	ssyncset.done $0x0  }
0xb0: {  	s3 =	sadd.s32 $0x4EC0, s14;
	[sflag:s23] =	ssyncadd.s32 $0xFFFFE800  }
0xb1: {  	[spmem:s2] =	stream.indirect.scatter.add.f32 [tilespmem:s24], [sflag:$0x5], $0x40, s3, s16, $0xb8;
	[tilespmem:$0x1F8A0] =	vst v63  }
0xb2: {  	s0 =	sadd.s32 @!p0 $0x180, s0;
	s11 =	simm.s32 $0x0;
	_ =	swait.ge [sflag:s25], $0xC00  }
0xb3: {  	s14 =	sadd.s32 $0x9D80, s1;
	s15 =	sand.u32 $0x78, s11;
	[sflag:s25] =	ssyncset.done $0x0  }
0xb4: {  	s4 =	simm.s32 @!p0 $0xF8A0;
	s3 =	simm.s32 @!p0 $0x60;
	[sflag:s25] =	ssyncadd.s32 $0xFFFFF400  }
0xb5: {  	[tilespmem:s4], [sflag:$0x2] =	stream.indirect.gather @!p0 [hbm4b:s9+s3], $0x20, s0, s3, $0xb8;
	[tilespmem:$0x1F8A0] =	vst v63  }
0xb6: {  	s4 =	simm.s32 $0x104E0;
	s0 =	sand.u32 $0x4, s11;
	s3 =	sadd.s32 s15, s14  }
0xb7: {  	s5 =	simm.s32 $0x1;
	v1 =	vld [tilespmem:s4+$0xFFFFFFC0];
	s0 =	sadd.s32 s0, s3  }
0xb8: {  	s17 =	sand.u32 $0x5, s5;
	v0 =	vld.msk [tilespmem:s0+$0x0 ss:$0x0], $0xffff  }
0xb9: {  	v2 =	vld [tilespmem:s4+$0xFFFFFFE0];
	s0 =	sadd.s32 s17, s3  }
0xba: {  	v6 =	vld.msk [tilespmem:s0+$0x0 ss:$0x0], $0xffff  }
0xbb: {  	s18 =	simm.s32 $0x2;
	v4 =	vld [tilespmem:s4+$0x20]  }
0xbc: {  	s7 =	sand.u32 $0x6, s18;
	s15 =	simm.s32 $0x10560;
	v5 =	vld [tilespmem:s4+$0x0];
	v3 =	vunpack.i.l.bf16.f32 v1  }
0xbd: {  	s29 =	simm.s32 $0xFFFFFFFB;
	s7 =	sadd.s32 s7, s3;
	v12 =	vld [tilespmem:s15+$0xFFFFFFC0];
	v1 =	vunpack.i.u.bf16.f32 v1;
	v3 =	vmul.f32 v3, v0  }
0xbe: {  	s5 =	sand.u32 $0x7, s29;
	s0 =	simm.s32 $0x14120;
	v8 =	vunpack.i.l.bf16.f32 v2;
	v2 =	vunpack.i.u.bf16.f32 v2;
	v7 =	vmul.f32 v1, v0;
	v1 =	vld.msk [tilespmem:s7+$0x0 ss:$0x0], $0xffff  }
0xbf: {  	v14 =	vld [tilespmem:s15+$0x0];
	s3 =	sadd.s32 s5, s3;
	s7 =	simm.s32 $0x4;
	v2 =	vmul.f32 v2, v6;
	[tilespmem:s0+$0xFFFFFF80] =	vst v3  }
0xc0: {  	s8 =	sand.u32 $0x78, s7;
	v3 =	vld.msk [tilespmem:s3+$0x0 ss:$0x0], $0xffff;
	[tilespmem:s0+$0xFFFFFF90] =	vst v7;
	v7 =	vmul.f32 v8, v6  }
0xc1: {  	v15 =	vld [tilespmem:s15+$0xFFFFFFE0];
	s10 =	sand.u32 $0x4, s7;
	s3 =	sadd.s32 s8, s14;
	[tilespmem:s0+$0xFFFFFFD0] =	vst v2  }
0xc2: {  	v2 =	vunpack.i.l.bf16.f32 v5;
	s5 =	sadd.s32 s10, s3;
	[tilespmem:s0+$0xFFFFFFC0] =	vst v7;
	v7 =	vld [tilespmem:s15+$0x20]  }
0xc3: {  	s10 =	simm.s32 $0x5;
	v5 =	vunpack.i.u.bf16.f32 v5;
	v9 =	vmul.f32 v2, v1;
	v2 =	vld.msk [tilespmem:s5+$0x0 ss:$0x0], $0xffff  }
0xc4: {  	s8 =	simm.s32 $0x6;
	v8 =	vunpack.i.u.bf16.f32 v4;
	s17 =	sand.u32 $0x5, s10;
	v13 =	vld [tilespmem:s4+$0xFFFFFFF0];
	v10 =	vmul.f32 v5, v1  }
0xc5: {  	v4 =	vunpack.i.l.bf16.f32 v4;
	v11 =	vld [tilespmem:s4+$0xFFFFFFD0];
	s8 =	sand.u32 $0x6, s8;
	s18 =	sadd.s32 s17, s3;
	v8 =	vmul.f32 v8, v3;
	[tilespmem:s0+$0x0] =	vst v9  }
0xc6: {  	s11 =	sadd.s32 s8, s3;
	v5 =	vld.msk [tilespmem:s18+$0x0 ss:$0x0], $0xffff;
	v9 =	vmul.f32 v4, v3;
	[tilespmem:s0+$0x10] =	vst v10  }
0xc7: {  	s29 =	simm.s32 $0xFFFFFFFF;
	v4 =	vld.msk [tilespmem:s11+$0x0 ss:$0x0], $0xffff;
	[tilespmem:s0+$0x50] =	vst v8;
	v8 =	vunpack.i.u.bf16.f32 v7;
	v10 =	vunpack.i.l.bf16.f32 v7;
	v7 =	vunpack.i.u.bf16.f32 v12  }
0xc8: {  	v17 =	vunpack.i.l.bf16.f32 v12;
	s5 =	sand.u32 $0x7, s29;
	[tilespmem:s0+$0x40] =	vst v9;
	v9 =	vld [tilespmem:s4+$0x10];
	v7 =	vmul.f32 v7, v2  }
0xc9: {  	v19 =	vunpack.i.u.bf16.f32 v14;
	s3 =	sadd.s32 s5, s3;
	v16 =	vunpack.i.l.bf16.f32 v13;
	v18 =	vld [tilespmem:s4+$0x30];
	v12 =	vmul.f32 v17, v2;
	s4 =	simm.s32 $0x14220  }
0xca: {  	v14 =	vunpack.i.l.bf16.f32 v14;
	v13 =	vunpack.i.u.bf16.f32 v13;
	v16 =	vmul.f32 v16, v6;
	[tilespmem:s4+$0xFFFFFF90] =	vst v7;
	v7 =	vld.msk [tilespmem:s3+$0x0 ss:$0x0], $0xffff  }
0xcb: {  	v6 =	vmul.f32 v13, v6;
	[tilespmem:s4+$0xFFFFFF80] =	vst v12;
	v12 =	vunpack.i.u.bf16.f32 v15;
	v15 =	vunpack.i.l.bf16.f32 v15  }
0xcc: {  	v13 =	vunpack.i.u.bf16.f32 v11;
	v17 =	vmul.f32 v14, v4;
	[tilespmem:s0+$0xFFFFFFE0] =	vst v16;
	v16 =	vmul.f32 v15, v5  }
0xcd: {  	v11 =	vunpack.i.l.bf16.f32 v11;
	v14 =	vmul.f32 v19, v4;
	v15 =	vmul.f32 v12, v5;
	[tilespmem:s0+$0xFFFFFFF0] =	vst v6  }
0xce: {  	s8 =	simm.s32 $0x105E0;
	v6 =	vld [tilespmem:s15+$0xFFFFFFD0];
	v12 =	vunpack.i.u.bf16.f32 v18;
	[tilespmem:s4+$0xFFFFFFC0] =	vst v16;
	v16 =	vunpack.i.l.bf16.f32 v9;
	v18 =	vunpack.i.l.bf16.f32 v18  }
.LBB2_7:
0xcf: {  	v19 =	vld [tilespmem:s8+$0x20];
	[tilespmem:s4+$0x0] =	vst v17;
	v10 =	vmul.f32 v10, v7;
	v9 =	vunpack.i.u.bf16.f32 v9;
	v17 =	vmul.f32 v18, v3;
	s3 =	smov.u32 s7;
	s7 =	sadd.s32 $0x4, s7  }
0xd0: {  	v13 =	vmul.f32 v13, v0;
	s5 =	sand.u32 $0x78, s7;
	s10 =	sand.u32 $0x4, s7;
	v18 =	vld [tilespmem:s8+$0xFFFFFFC0];
	s11 =	sadd.s32 $0xFFFFFFFF, s3;
	[tilespmem:s4+$0xFFFFFFD0] =	vst v15;
	v15 =	vmul.f32 v8, v7  }
0xd1: {  	v16 =	vmul.f32 v16, v1;
	s17 =	sadd.s32 $0x6, s3;
	v8 =	vmul.f32 v9, v1;
	v1 =	vmov v4;
	s5 =	sadd.s32 s5, s14;
	s11 =	sand.u32 $0x7, s11;
	v20 =	vld [tilespmem:s15+$0xFFFFFFF0];
	[tilespmem:s0+$0x60] =	vst v17  }
0xd2: {  	v11 =	vmul.f32 v11, v0;
	v0 =	vmovc v2;
	s3 =	sadd.s32 $0x5, s3;
	v9 =	vmul.f32 v12, v3;
	v3 =	vmov v7;
	s17 =	sand.u32 $0x6, s17;
	s10 =	sadd.s32 s10, s5;
	v17 =	vld [tilespmem:s8+$0x0];
	[tilespmem:s4+$0x10] =	vst v14  }
0xd3: {  	s3 =	sand.u32 $0x5, s3;
	s11 =	sadd.s32 s11, s5;
	v2 =	vld.msk [tilespmem:s10+$0x0 ss:$0x0], $0xffff;
	s10 =	sadd.s32 s17, s5;
	[tilespmem:s0+$0x30] =	vst v8  }
0xd4: {  	p0 =	slt.u32 s7, $0x5C;
	s3 =	sadd.s32 s3, s5;
	v4 =	vld.msk [tilespmem:s10+$0x0 ss:$0x0], $0xffff;
	v8 =	vunpack.i.u.bf16.f32 v19;
	[tilespmem:s0+$0x70] =	vst v9  }
0xd5: {  	v12 =	vld.msk [tilespmem:s3+$0x0 ss:$0x0], $0xffff;
	[tilespmem:s0+$0xFFFFFFB0] =	vst v13  }
0xd6: {  	v13 =	vld [tilespmem:s8+$0xFFFFFFE0];
	v7 =	vunpack.i.l.bf16.f32 v20;
	[tilespmem:s4+$0x50] =	vst v15  }
0xd7: {  	v14 =	vunpack.i.l.bf16.f32 v18;
	v15 =	vmul.f32 v7, v5;
	v9 =	vld [tilespmem:s15+$0x10];
	[tilespmem:s4+$0x40] =	vst v10  }
0xd8: {  	v10 =	vunpack.i.l.bf16.f32 v19;
	v19 =	vld [tilespmem:s15+$0x30];
	[tilespmem:s0+$0x20] =	vst v16;
	s15 =	smov.u32 s8  }
0xd9: {  	v16 =	vunpack.i.u.bf16.f32 v18;
	v14 =	vmul.f32 v14, v2;
	v18 =	vunpack.i.u.bf16.f32 v17;
	v7 =	vld.msk [tilespmem:s11+$0x0 ss:$0x0], $0xffff;
	[tilespmem:s0+$0xFFFFFFA0] =	vst v11;
	s0 =	smov.u32 s4  }
.Ltmp2:
0xda: {  	v11 =	vmul.f32 v16, v2;
	v16 =	vunpack.i.l.bf16.f32 v17;
	v17 =	vunpack.i.u.bf16.f32 v20;
	s4 =	sadd.s32 $0x100, s4;
	[tilespmem:s0+$0xFFFFFFE0] =	vst v15;
	(pc) =	sbr.rel @p0 .LBB2_7-.Ltmp2, $4  }
0xdb: {  	v20 =	vmul.f32 v17, v5;
	v5 =	vmovc v12;
	[tilespmem:s4+$0xFFFFFF80] =	vst v14;
	v14 =	vunpack.i.u.bf16.f32 v13;
	v13 =	vunpack.i.l.bf16.f32 v13  }
0xdc: {  	[tilespmem:s4+$0xFFFFFF90] =	vst v11;
	v21 =	vmul.f32 v13, v5;
	v15 =	vmul.f32 v14, v5;
	v13 =	vunpack.i.u.bf16.f32 v6  }
0xdd: {  	v17 =	vmul.f32 v16, v4;
	v11 =	vunpack.i.l.bf16.f32 v6;
	[tilespmem:s0+$0xFFFFFFF0] =	vst v20;
	v12 =	vunpack.i.u.bf16.f32 v19  }
0xde: {  	s8 =	sadd.s32 $0x80, s8;
	v14 =	vmul.f32 v18, v4;
	v16 =	vunpack.i.l.bf16.f32 v9;
	v18 =	vunpack.i.l.bf16.f32 v19;
	v6 =	vld [tilespmem:s15+$0xFFFFFFD0];
	[tilespmem:s4+$0xFFFFFFC0] =	vst v21  }
0xdf: {  	[tilespmem:s4+$0x0] =	vst v17  }
0xe0: {  	v46 =	vmul.f32 v18, v3;
	[tilespmem:s4+$0xFFFFFFD0] =	vst v15  }
0xe1: {  	v8 =	vmul.f32 v8, v7;
	[tilespmem:s4+$0x10] =	vst v14  }
0xe2: {  	v10 =	vmul.f32 v10, v7;
	[tilespmem:s0+$0x60] =	vst v46  }
0xe3: {  	v48 =	vmul.f32 v12, v3;
	v15 =	vld [tilespmem:s15+$0xFFFFFFF0];
	[tilespmem:s4+$0x50] =	vst v8  }
0xe4: {  	v50 =	vmul.f32 v13, v0;
	[tilespmem:s4+$0x40] =	vst v10  }
0xe5: {  	v52 =	vmul.f32 v16, v1;
	[tilespmem:s0+$0x70] =	vst v48  }
0xe6: {  	v9 =	vunpack.i.u.bf16.f32 v9;
	v53 =	vmul.f32 v11, v0;
	[tilespmem:s0+$0xFFFFFFB0] =	vst v50;
	v49 =	vld [tilespmem:s15+$0x30]  }
0xe7: {  	v47 =	vmul.f32 v9, v1;
	v51 =	vld [tilespmem:s15+$0x10];
	[tilespmem:s0+$0x20] =	vst v52;
	v62 =	vunpack.i.l.bf16.f32 v6  }
0xe8: {  	[tilespmem:s0+$0xFFFFFFA0] =	vst v53;
	v63 =	vmul.f32 v62, v2;
	v54 =	vunpack.i.l.bf16.f32 v15  }
0xe9: {  	[tilespmem:s0+$0x30] =	vst v47;
	v55 =	vunpack.i.u.bf16.f32 v15;
	v3 =	vmul.f32 v54, v5  }
0xea: {  	v60 =	vunpack.i.u.bf16.f32 v6;
	v56 =	vmul.f32 v55, v5;
	[tilespmem:s4+$0xFFFFFFA0] =	vst v63  }
0xeb: {  	v5 =	vmul.f32 v60, v2;
	v57 =	vunpack.i.l.bf16.f32 v49;
	[tilespmem:s4+$0xFFFFFFE0] =	vst v3  }
0xec: {  	v58 =	vunpack.i.u.bf16.f32 v51;
	v1 =	vmul.f32 v57, v7;
	[tilespmem:s4+$0xFFFFFFF0] =	vst v56  }
0xed: {  	v59 =	vunpack.i.u.bf16.f32 v49;
	v3 =	vmul.f32 v58, v4;
	[tilespmem:s4+$0xFFFFFFB0] =	vst v5  }
0xee: {  	v61 =	vunpack.i.l.bf16.f32 v51;
	v0 =	vmul.f32 v59, v7;
	[tilespmem:s4+$0x60] =	vst v1  }
0xef: {  	s31 =	sadd.s32 $0x1, s31;
	[tilespmem:s4+$0x30] =	vst v3;
	v1 =	vmul.f32 v61, v4  }
0xf0: {  	p0 =	sne.s32 s31, $0x46;
	[tilespmem:s4+$0x70] =	vst v0  }
.Ltmp3:
0xf1: {  	[tilespmem:s4+$0x20] =	vst v1;
	(pc) =	sbr.rel @p0 .LBB2_2-.Ltmp3, $4  }
0xf2: {  	_ =	swait.ge [sflag:s26], $0x1800  }
0xf3: {  	[sflag:s26] =	ssyncset.done $0x0  }
0xf4: {  	s29 =	sadd.s32 $0x4EC0, s1;
	[sflag:s26] =	ssyncadd.s32 $0xFFFFE800  }
0xf5: {  	[spmem:s2] =	stream.indirect.scatter.add.f32 [tilespmem:s28], [sflag:$0x6], $0x40, s29, s16, $0xb8;
	[tilespmem:$0x1F8A0] =	vst v63  }
0xf6: {  	s0 =	simm.s32 $0x6  }
0xf7: {  	_ =	swait.ge [sflag:s0], $0x1800  }
0xf8: {  	[sflag:s0] =	ssyncset.done $0x0  }
0xf9: {  	[sflag:s0] =	ssyncadd.s32 $0xFFFFE800  }
0xfa: {  	[bflag:$0x0] =	sbarrier.arrive $0xFFFF  }
0xfb: {  	s29 =	rddreg [dreg:$0x8]  }
0xfc: {  	[hbm:s29], [sflag:s6] =	dma.local [spmem:s12], $0x1400  }
0xfd: {  	_ =	swait.ge [sflag:s13], $0x1400  }
0xfe: {  	s30 =	sadd.s32 $0x1, s30;
	s31 =	rddreg [dreg:$0x9]  }
0xff: {  	p0 =	sne.s32 s30, s31  }
.Ltmp4:
0x100: {  	_ = 	snop;
	(pc) =	sbr.rel @p0 .LBB2_1-.Ltmp4, $3  }
0x101: {  	_ =	sdelay $0x1  }
0x102: {  	[sflag:s13] =	ssyncset.done $0x0  }
0x103: {  	[sflag:s13] =	ssyncadd.s32 $0xFFFFEC00  }
0x104: {  	_ =	sfence.sel $0x180000  }
0x105: {  	[bflag:$0x0] =	sbarrier.arrive $0xFFFF  }
0x106: {  	_ =	strace $0x90000047  }
0x107: {  	s0 =	stileid.u32;
	[bflag:$0x2] =	sbarrier.arrive $0xFFFF  }
0x108: {  	p0 =	sne.s32 s0, $0x0;
	s0 =	rddreg [dreg:$0x3]  }
0x109: {  	s0 =	sadd.s32 @!p0 $0x100000, s0  }
0x10a: {  	[sflag:s0] =	ssyncadd.tile.s32 @!p0 $0x1;
	_ =	shalt  }
.Lfunc_end2:
_tile_overlayer_lowered:
.L_overlay_start_2:
0x10b: {  	(tag) =	ssettag $0x2  }
0x10c: {  	s0 =	rddreg [dreg:$0x0];
	s2 =	stileid.u32  }
0x10d: {  	s1 =	rddreg [dreg:$0x1];
	p0 =	sne.s32 s2, $0x0  }
0x10e: {  	s3 =	rddreg [dreg:$0x2];
	[bflag:$0x3] =	sbarrier.arrive $0xFFFF;
	s2 =	simm.s32 @!p0 $0x1C07  }
0x10f: {  	[timem:s3], [sflag:s2] =	dma.local @!p0 [hbm:s0], s1  }
0x110: {  	s0 =	simm.s32 @!p0 $0x7  }
0x111: {  	_ =	swait.ge @!p0 [sflag:s0], s1  }
0x112: {  	s1 =	ssub.s32 @!p0 $0x0, s1;
	[sflag:s0] =	ssyncset.done @!p0 $0x0  }
0x113: {  	[sflag:s0] =	ssyncadd.s32 @!p0 s1  }
0x114: {  	[bflag:$0x3] =	sbarrier.arrive $0xFFFF  }
0x115: {  	_ =	shalt  }

</sc_bundles>
